<compile_context>
chip_gen: v7x
topology: tpu7x:2x2x1
jax: 0.10.2.dev20260603
libtpu: 0.0.44.dev20260713+nightly
codegen_flags: <defaults>
</compile_context>

<pallas_src>
import functools

import jax
import jax.numpy as jnp
from jax.experimental import pallas as pl
from jax.experimental.pallas import tpu as pltpu
from jax.experimental.pallas import tpu_sc as plsc

N = 4096
D_IN = 2
H = 256
Z = 128
NEG = -1e9

BV = 256
BU = 256
GCH = 64
SPLITS = 1
NS = N // SPLITS


def _dense_body(x_ref, z_ref, ew1_ref, eb1_ref, ew2_ref, eb2_ref, pw_ref,
                pb_ref, sw_ref, tw_ref, h_ref, src_ref, tgt_ref):
    x = x_ref[...]
    dn = (((1,), (1,)), ((), ()))
    h0 = jnp.maximum(
        jax.lax.dot_general(x, ew1_ref[...], dn,
                            preferred_element_type=jnp.float32)
        + eb1_ref[...], 0.0)
    h0 = jax.lax.dot_general(h0, ew2_ref[...], dn,
                             preferred_element_type=jnp.float32) + eb2_ref[...]
    zrow = jnp.broadcast_to(z_ref[...], (N, Z))
    hcat = jnp.concatenate([h0, zrow], axis=1)
    h = jnp.maximum(
        jax.lax.dot_general(hcat, pw_ref[...], dn,
                            preferred_element_type=jnp.float32) + pb_ref[...],
        0.0)
    h_ref[...] = h
    src_ref[...] = jax.lax.dot_general(h, sw_ref[...], dn,
                                       preferred_element_type=jnp.float32)
    tgt_ref[...] = jax.lax.dot_general(h, tw_ref[...], dn,
                                       preferred_element_type=jnp.float32)


def _dense_call(x, z2, ew1, eb1, ew2, eb2, pw, pb, sw, tw):
    out = jax.ShapeDtypeStruct((N, H), jnp.float32)
    return pl.pallas_call(
        _dense_body, out_shape=(out, out, out),
    )(x, z2, ew1, eb1, ew2, eb2, pw, pb, sw, tw)


def _make_band_body(off_rows):
    def body(tgt_ref, src_ref, dvm_ref, dsm_ref, vals_ref, idx_ref):
        i = pl.program_id(0)
        v0 = off_rows + i * BV
        dv = dvm_ref[:, pl.ds(v0, BV)].reshape(BV, 1)
        d_all = dvm_ref[...]
        d0 = dsm_ref[0, v0]
        d1 = dsm_ref[0, v0 + BV - 1]
        lo_u = jnp.sum((d_all < d0 - 3).astype(jnp.int32))
        hi_u = N - jnp.sum((d_all > d1).astype(jnp.int32))
        ublo = lo_u // BU
        ubhi = (hi_u + BU - 1) // BU

        tgt = tgt_ref[...]
        viota = v0 + jax.lax.broadcasted_iota(jnp.int32, (BV, BU), 0)

        def step(ub, carry):
            b1v, b1i, b2v, b2i = carry
            u0 = ub * BU
            srcb = src_ref[pl.ds(u0, BU), :]
            s = jax.lax.dot_general(tgt, srcb, (((1,), (1,)), ((), ())),
                                    preferred_element_type=jnp.float32)
            du = dvm_ref[:, pl.ds(u0, BU)]
            uidx = u0 + jax.lax.broadcasted_iota(jnp.int32, (BV, BU), 1)
            mask = (du <= dv) & (du >= dv - 3) & (uidx != viota)
            sm = jnp.where(mask, s, NEG)
            t1v = jnp.max(sm, axis=1, keepdims=True)
            t1i = jnp.min(jnp.where(sm == t1v, uidx, N), axis=1,
                          keepdims=True)
            sm2 = jnp.where(uidx == t1i, -jnp.inf, sm)
            t2v = jnp.max(sm2, axis=1, keepdims=True)
            t2i = jnp.min(jnp.where(sm2 == t2v, uidx, N), axis=1,
                          keepdims=True)
            take_b = b1v >= t1v
            n1v = jnp.where(take_b, b1v, t1v)
            n1i = jnp.where(take_b, b1i, t1i)
            av = jnp.where(take_b, b2v, b1v)
            ai = jnp.where(take_b, b2i, b1i)
            cv = jnp.where(take_b, t1v, t2v)
            ci = jnp.where(take_b, t1i, t2i)
            take_a = av >= cv
            n2v = jnp.where(take_a, av, cv)
            n2i = jnp.where(take_a, ai, ci)
            return n1v, n1i, n2v, n2i

        init = (jnp.full((BV, 1), NEG, jnp.float32),
                jnp.zeros((BV, 1), jnp.int32),
                jnp.full((BV, 1), NEG, jnp.float32),
                jnp.zeros((BV, 1), jnp.int32))
        b1v, b1i, b2v, b2i = jax.lax.fori_loop(ublo, ubhi, step, init)

        no1 = b1v <= -1e8
        b1i = jnp.where(no1, 0, b1i)
        no2 = (~no1) & (b2v <= -1e8)
        b2i = jnp.where(no1, 1,
                        jnp.where(no2, jnp.where(b1i == 0, 1, 0), b2i))

        vals_ref[:, 0:1] = b1v
        vals_ref[:, 1:2] = b2v
        idx_ref[:, 0:1] = b1i
        idx_ref[:, 1:2] = b2i
    return body


def _band_call(tgt_slice, src, d2, off_rows):
    return pl.pallas_call(
        _make_band_body(off_rows),
        grid=(NS // BV,),
        in_specs=[
            pl.BlockSpec((BV, H), lambda i: (i, 0)),
            pl.BlockSpec((N, H), lambda i: (0, 0)),
            pl.BlockSpec((1, N), lambda i: (0, 0)),
            pl.BlockSpec(memory_space=pltpu.SMEM),
        ],
        out_specs=[
            pl.BlockSpec((BV, 2), lambda i: (i, 0)),
            pl.BlockSpec((BV, 2), lambda i: (i, 0)),
        ],
        out_shape=(jax.ShapeDtypeStruct((NS, 2), jnp.float32),
                   jax.ShapeDtypeStruct((NS, 2), jnp.int32)),
    )(tgt_slice, src, d2, d2)


def _sc_gather(h, idx_flat):
    m = idx_flat.shape[0]
    bpw = m // 32
    nch = bpw // GCH
    mesh = plsc.VectorSubcoreMesh(core_axis_name="c", subcore_axis_name="s")

    @functools.partial(
        pl.kernel, mesh=mesh,
        out_type=jax.ShapeDtypeStruct((m, H), jnp.float32),
        scratch_types=[
            pltpu.VMEM((bpw,), jnp.int32),
            pltpu.VMEM((GCH, H), jnp.float32),
            pltpu.VMEM((GCH, H), jnp.float32),
            pltpu.SemaphoreType.DMA,
            pltpu.SemaphoreType.DMA,
            pltpu.SemaphoreType.DMA,
            pltpu.SemaphoreType.DMA,
        ],
    )
    def kern(h_hbm, i_hbm, o_hbm, idx_v, buf0, buf1, g0, g1, s0, s1):
        wid = jax.lax.axis_index("s") * 2 + jax.lax.axis_index("c")
        base = wid * bpw
        pltpu.sync_copy(i_hbm.at[pl.ds(base, bpw)], idx_v)
        bufs = (buf0, buf1)
        gs = (g0, g1)
        ss = (s0, s1)
        gcp = [None] * nch
        ocp = [None] * nch
        gcp[0] = pltpu.async_copy(h_hbm.at[idx_v.at[pl.ds(0, GCH)]],
                                  bufs[0], gs[0])
        for c in range(nch):
            b = c % 2
            if c + 1 < nch:
                if c >= 1:
                    ocp[c - 1].wait()
                gcp[c + 1] = pltpu.async_copy(
                    h_hbm.at[idx_v.at[pl.ds((c + 1) * GCH, GCH)]],
                    bufs[(c + 1) % 2], gs[(c + 1) % 2])
            gcp[c].wait()
            ocp[c] = pltpu.async_copy(
                bufs[b], o_hbm.at[pl.ds(base + c * GCH, GCH)], ss[b])
        if nch >= 2:
            ocp[nch - 2].wait()
        ocp[nch - 1].wait()

    return kern(h, idx_flat)


def _make_final_body(off_rows):
    def body(g_ref, h_ref, z_ref, iw1_ref, ib1_ref, iw2_ref, ib2_ref,
             nt_ref, vals_ref, idx_ref, src_out, dst_out, attr_out,
             logit_out):
        dn = (((1,), (1,)), ((), ()))
        h = h_ref[...]
        zrow = jnp.broadcast_to(z_ref[...], (NS, Z))
        t = nt_ref[...]
        kp = jnp.where(t == 2, 2, jnp.where(t == 1, 1, 0))
        vrow = off_rows + jax.lax.broadcasted_iota(jnp.int32, (NS, 1), 0)
        for j in (0, 1):
            u_emb = g_ref[pl.ds(j * NS, NS), :]
            feat = jnp.concatenate([u_emb, h, zrow], axis=1)
            a = jnp.maximum(
                jax.lax.dot_general(feat, iw1_ref[...], dn,
                                    preferred_element_type=jnp.float32)
                + ib1_ref[...], 0.0)
            logitp = jax.lax.dot_general(a, iw2_ref[...], dn,
                                         preferred_element_type=jnp.float32) \
                + ib2_ref[...]
            logit = logitp[:, 0:1]
            bit = (logit > 0.0).astype(jnp.int32)
            validj = (j < kp) & (vals_ref[:, j:j + 1] > -1e8)
            idxj = idx_ref[:, j:j + 1]
            src_out[:, j:j + 1] = jnp.where(validj, idxj, -1)
            dst_out[:, j:j + 1] = jnp.where(validj, vrow, -1)
            attr_out[:, j:j + 1] = jnp.where(validj, bit, 0)
            logit_out[:, j:j + 1] = logit
    return body


def _final_call(g, h_slice, z2, iw1, ib1, iw2p, ib2, nt2, vals, idx,
                off_rows):
    i2 = jax.ShapeDtypeStruct((NS, 2), jnp.int32)
    f2 = jax.ShapeDtypeStruct((NS, 2), jnp.float32)
    return pl.pallas_call(
        _make_final_body(off_rows), out_shape=(i2, i2, i2, f2),
    )(g, h_slice, z2, iw1, ib1, iw2p, ib2, nt2, vals, idx)


def kernel(x, z, node_type, node_depth, enc_w1, enc_b1, enc_w2, enc_b2,
           proj_w, proj_b, src_w, tgt_w, inv_w1, inv_b1, inv_w2, inv_b2):
    z2 = z.reshape(1, Z)
    eb1 = enc_b1.reshape(1, H)
    eb2 = enc_b2.reshape(1, H)
    pb = proj_b.reshape(1, H)
    ib1 = inv_b1.reshape(1, H)
    iw2p = jnp.concatenate([inv_w2, jnp.zeros((127, H), jnp.float32)], axis=0)
    ib2 = jnp.broadcast_to(inv_b2.reshape(1, 1), (1, 128))
    d2 = node_depth.reshape(1, N).astype(jnp.int32)
    nt2 = node_type.reshape(N, 1).astype(jnp.int32)

    h, src, tgt = _dense_call(x, z2, enc_w1, eb1, enc_w2, eb2, proj_w, pb,
                              src_w, tgt_w)

    parts = []
    for s in range(SPLITS):
        v0 = s * NS
        vals_s, idx_s = _band_call(tgt[v0:v0 + NS], src, d2, v0)
        g_s = _sc_gather(h, jnp.transpose(idx_s).reshape(2 * NS))
        outs_s = _final_call(g_s, h[v0:v0 + NS], z2, inv_w1, ib1, iw2p, ib2,
                             nt2[v0:v0 + NS], vals_s, idx_s, v0)
        parts.append((outs_s[0], outs_s[1], outs_s[2], vals_s, outs_s[3]))

    edge_src, edge_dst, edge_attr, vals, inv_logit = (
        jnp.concatenate(leaves, axis=0) for leaves in zip(*parts))
    return edge_src, edge_dst, edge_attr, vals, inv_logit

# --- scband reference (transcript-rebuilt; emitter-appended) ---
"""Pipeline reference for scband-aiggenerator-31533649887522 (READ-ONLY COPY).

The authoritative reference and input builder live on the scoring server;
editing this copy changes nothing except your own understanding.
"""

import jax, jax.numpy as jnp
import numpy as np

N = 4096
D_IN = 2
H = 256
Z = 128
MAX_DEPTH = 64


def setup_inputs(seed: int = 0) -> dict:
    key = jax.random.key(seed)
    ks = jax.random.split(key, 16)
    inp = {}
    inp['x'] = jax.random.normal(ks[0], (N, D_IN), dtype=jnp.float32)
    inp['z'] = jax.random.normal(ks[1], (Z,), dtype=jnp.float32)
    inp['node_type'] = jax.random.randint(ks[2], (N,), 0, 3, dtype=jnp.int64 if jax.config.jax_enable_x64 else jnp.int32).astype(jnp.int32)
    inp['node_depth'] = jnp.sort(jax.random.randint(ks[3], (N,), 0, MAX_DEPTH).astype(jnp.int32))
    s = 0.05
    inp['enc_w1'] = jax.random.normal(ks[4], (H, D_IN), dtype=jnp.float32) * s
    inp['enc_b1'] = jnp.zeros((H,), dtype=jnp.float32)
    inp['enc_w2'] = jax.random.normal(ks[5], (H, H), dtype=jnp.float32) * s
    inp['enc_b2'] = jnp.zeros((H,), dtype=jnp.float32)
    inp['proj_w'] = jax.random.normal(ks[6], (H, H + Z), dtype=jnp.float32) * s
    inp['proj_b'] = jnp.zeros((H,), dtype=jnp.float32)
    inp['src_w'] = jax.random.normal(ks[7], (H, H), dtype=jnp.float32) * s
    inp['tgt_w'] = jax.random.normal(ks[8], (H, H), dtype=jnp.float32) * s
    inp['inv_w1'] = jax.random.normal(ks[9], (H, 2 * H + Z), dtype=jnp.float32) * s
    inp['inv_b1'] = jnp.zeros((H,), dtype=jnp.float32)
    inp['inv_w2'] = jax.random.normal(ks[10], (1, H), dtype=jnp.float32) * s
    inp['inv_b2'] = jnp.zeros((1,), dtype=jnp.float32)
    return inp


def reference(x, z, node_type, node_depth, enc_w1, enc_b1, enc_w2, enc_b2, proj_w, proj_b, src_w, tgt_w, inv_w1, inv_b1, inv_w2, inv_b2):
    n = x.shape[0]
    # node_enc: Linear -> ReLU -> Linear
    h0 = jax.nn.relu(x @ enc_w1.T + enc_b1) @ enc_w2.T + enc_b2
    # concat noise and project
    z_expand = jnp.tile(z[None, :], (n, 1))
    h = jax.nn.relu(jnp.concatenate([h0, z_expand], axis=1) @ proj_w.T + proj_b)
    src = h @ src_w.T  # src_proj (no bias)
    tgt = h @ tgt_w.T  # tgt_proj (no bias)
    # scores[v, u] = <src_proj(h_u), tgt_proj(h_v)>
    S = tgt @ src.T
    d = node_depth
    # candidate pool per dst v: nodes u with depth in [d_v - 3, d_v], u != v
    mask = (d[None, :] <= d[:, None]) & (d[None, :] >= d[:, None] - 3) & (~jnp.eye(n, dtype=bool))
    masked = jnp.where(mask, S, -1e9)
    vals, idx = jax.lax.top_k(masked, 2)  # up to 2 predecessors per node
    t = node_type
    k_per = jnp.where(t == 2, 2, jnp.where(t == 1, 1, 0))
    valid = (jnp.arange(2)[None, :] < k_per[:, None]) & (vals > -1e8)
    # inverter-bit MLP on each selected (u, v) edge
    u_emb = h[idx]  # [N, 2, H]
    v_emb = jnp.broadcast_to(h[:, None, :], u_emb.shape)
    z_b = jnp.broadcast_to(z[None, None, :], (n, 2, z.shape[0]))
    feat = jnp.concatenate([u_emb, v_emb, z_b], axis=-1)
    inv_logit = (jax.nn.relu(feat @ inv_w1.T + inv_b1) @ inv_w2.T + inv_b2)[..., 0]  # [N, 2]
    inv_bit = (jax.nn.sigmoid(inv_logit) > 0.5).astype(jnp.int32)
    edge_src = jnp.where(valid, idx, -1)
    edge_dst = jnp.where(valid, jnp.broadcast_to(jnp.arange(n)[:, None], (n, 2)), -1)
    edge_attr = jnp.where(valid, inv_bit, 0)
    return edge_src, edge_dst, edge_attr, vals, inv_logit

if __name__ == "__main__":
    import jax
    _d = setup_inputs()
    print(jax.jit(kernel)(*tuple(_d.values())))

</pallas_src>

<mosaic_0001>
#map = affine_map<(d0, d1) -> (0, 0)>
#map1 = affine_map<(d0, d1) -> (0)>
module attributes {stable_mosaic.version = 14 : i64} {
  func.func @kern(%arg0: i32, %arg1: i32, %arg2: memref<4096x256xf32, #tpu.memory_space<hbm>>, %arg3: memref<8192xi32, #tpu.memory_space<hbm>>, %arg4: memref<8192x256xf32, #tpu.memory_space<hbm>>, %arg5: memref<256xi32, #tpu.memory_space<vmem>>, %arg6: memref<64x256xf32, #tpu.memory_space<vmem>>, %arg7: memref<64x256xf32, #tpu.memory_space<vmem>>, %arg8: memref<!tpu.dma_semaphore, #tpu.memory_space<semaphore_mem>>, %arg9: memref<!tpu.dma_semaphore, #tpu.memory_space<semaphore_mem>>, %arg10: memref<!tpu.dma_semaphore, #tpu.memory_space<semaphore_mem>>, %arg11: memref<!tpu.dma_semaphore, #tpu.memory_space<semaphore_mem>>) attributes {dimension_semantics = [#tpu.dimension_semantics<core_parallel>, #tpu.dimension_semantics<subcore_parallel>], iteration_bounds = array<i64: 2, 16>, scalar_prefetch = 0 : i64, scratch_operands = 7 : i64, tpu.core_type = #tpu.core_type<sc_vector_subcore>, window_params = [{transform_indices = #map}, {transform_indices = #map1}, {transform_indices = #map}]} {
    %mul3A = arith.constant 2 : i32
    %mul3A_0 = arith.muli %arg1, %mul3A : i32
    %add3A = arith.addi %mul3A_0, %arg0 : i32
    %mul3A_1 = arith.constant 256 : i32
    %mul3A_2 = arith.muli %add3A, %mul3A_1 : i32
    "tpu.region"() ({
      %run_scoped3A = tpu.sem_alloc : memref<!tpu.dma_semaphore, #tpu.memory_space<semaphore_mem>>
      %dma_start3A_81 = tpu.memref_slice %arg3[%mul3A_2] : memref<8192xi32, #tpu.memory_space<hbm>> -> memref<256xi32, #tpu.memory_space<hbm>>
      %dma_start3A_82 = tpu.memref_slice %arg3[%mul3A_2] : memref<8192xi32, #tpu.memory_space<hbm>> -> memref<256xi32, #tpu.memory_space<hbm>>
      tpu.enqueue_dma source(%dma_start3A_82 : memref<256xi32, #tpu.memory_space<hbm>>) target(%arg5 : memref<256xi32, #tpu.memory_space<vmem>>) target_semaphore(%run_scoped3A : memref<!tpu.dma_semaphore, #tpu.memory_space<semaphore_mem>>)
      %dma_wait3A_83 = tpu.memref_slice %arg3[%mul3A_2] : memref<8192xi32, #tpu.memory_space<hbm>> -> memref<256xi32, #tpu.memory_space<hbm>>
      %dma_wait3A_84 = tpu.memref_slice %arg3[%mul3A_2] : memref<8192xi32, #tpu.memory_space<hbm>> -> memref<256xi32, #tpu.memory_space<hbm>>
      tpu.wait_dma2 semaphore(%run_scoped3A : memref<!tpu.dma_semaphore, #tpu.memory_space<semaphore_mem>>) src(%dma_wait3A_84 : memref<256xi32, #tpu.memory_space<hbm>>) dst(%arg5 : memref<256xi32, #tpu.memory_space<vmem>>)
      tpu.yield
    }) : () -> ()
    %dma_start3A = arith.constant 0 : i32
    %dma_start3A_3 = tpu.memref_slice %arg5[%dma_start3A] : memref<256xi32, #tpu.memory_space<vmem>> -> memref<64xi32, #tpu.memory_space<vmem>>
    %dma_start3A_4 = arith.constant 0 : i32
    %dma_start3A_5 = arith.constant 0 : i32
    %dma_start3A_6 = tpu.memref_slice %arg2[%dma_start3A_4, %dma_start3A_5] : memref<4096x256xf32, #tpu.memory_space<hbm>> -> memref<4096x256xf32, #tpu.memory_space<hbm>>
    tpu.enqueue_indirect_dma source(%dma_start3A_6 : memref<4096x256xf32, #tpu.memory_space<hbm>>) target(%arg6 : memref<64x256xf32, #tpu.memory_space<vmem>>) offsets(%dma_start3A_3 : memref<64xi32, #tpu.memory_space<vmem>>) semaphore(%arg8 : memref<!tpu.dma_semaphore, #tpu.memory_space<semaphore_mem>>)
    %dma_start3A_7 = arith.constant 64 : i32
    %dma_start3A_8 = tpu.memref_slice %arg5[%dma_start3A_7] : memref<256xi32, #tpu.memory_space<vmem>> -> memref<64xi32, #tpu.memory_space<vmem>>
    %dma_start3A_9 = arith.constant 0 : i32
    %dma_start3A_10 = arith.constant 0 : i32
    %dma_start3A_11 = tpu.memref_slice %arg2[%dma_start3A_9, %dma_start3A_10] : memref<4096x256xf32, #tpu.memory_space<hbm>> -> memref<4096x256xf32, #tpu.memory_space<hbm>>
    tpu.enqueue_indirect_dma source(%dma_start3A_11 : memref<4096x256xf32, #tpu.memory_space<hbm>>) target(%arg7 : memref<64x256xf32, #tpu.memory_space<vmem>>) offsets(%dma_start3A_8 : memref<64xi32, #tpu.memory_space<vmem>>) semaphore(%arg9 : memref<!tpu.dma_semaphore, #tpu.memory_space<semaphore_mem>>)
    %dma_wait3A = arith.constant 0 : i32
    %dma_wait3A_12 = tpu.memref_slice %arg5[%dma_wait3A] : memref<256xi32, #tpu.memory_space<vmem>> -> memref<64xi32, #tpu.memory_space<vmem>>
    %dma_wait3A_13 = arith.constant 0 : i32
    %dma_wait3A_14 = arith.constant 0 : i32
    %dma_wait3A_15 = tpu.memref_slice %arg2[%dma_wait3A_13, %dma_wait3A_14] : memref<4096x256xf32, #tpu.memory_space<hbm>> -> memref<4096x256xf32, #tpu.memory_space<hbm>>
    tpu.wait_indirect_dma semaphore(%arg8 : memref<!tpu.dma_semaphore, #tpu.memory_space<semaphore_mem>>) src(%dma_wait3A_15 : memref<4096x256xf32, #tpu.memory_space<hbm>>) dst(%arg6 : memref<64x256xf32, #tpu.memory_space<vmem>>)
    %add3A_16 = arith.constant 0 : i32
    %add3A_17 = arith.addi %mul3A_2, %add3A_16 : i32
    %dma_start3A_18 = arith.constant 0 : i32
    %dma_start3A_19 = tpu.memref_slice %arg4[%add3A_17, %dma_start3A_18] : memref<8192x256xf32, #tpu.memory_space<hbm>> -> memref<64x256xf32, #tpu.memory_space<hbm>>
    %dma_start3A_20 = arith.constant 0 : i32
    %dma_start3A_21 = tpu.memref_slice %arg4[%add3A_17, %dma_start3A_20] : memref<8192x256xf32, #tpu.memory_space<hbm>> -> memref<64x256xf32, #tpu.memory_space<hbm>>
    tpu.enqueue_dma source(%arg6 : memref<64x256xf32, #tpu.memory_space<vmem>>) target(%dma_start3A_21 : memref<64x256xf32, #tpu.memory_space<hbm>>) target_semaphore(%arg10 : memref<!tpu.dma_semaphore, #tpu.memory_space<semaphore_mem>>)
    %dma_wait3A_22 = arith.constant 0 : i32
    %dma_wait3A_23 = tpu.memref_slice %arg4[%add3A_17, %dma_wait3A_22] : memref<8192x256xf32, #tpu.memory_space<hbm>> -> memref<64x256xf32, #tpu.memory_space<hbm>>
    %dma_wait3A_24 = arith.constant 0 : i32
    %dma_wait3A_25 = tpu.memref_slice %arg4[%add3A_17, %dma_wait3A_24] : memref<8192x256xf32, #tpu.memory_space<hbm>> -> memref<64x256xf32, #tpu.memory_space<hbm>>
    tpu.wait_dma2 semaphore(%arg10 : memref<!tpu.dma_semaphore, #tpu.memory_space<semaphore_mem>>) src(%arg6 : memref<64x256xf32, #tpu.memory_space<vmem>>) dst(%dma_wait3A_25 : memref<64x256xf32, #tpu.memory_space<hbm>>)
    %dma_start3A_26 = arith.constant 128 : i32
    %dma_start3A_27 = tpu.memref_slice %arg5[%dma_start3A_26] : memref<256xi32, #tpu.memory_space<vmem>> -> memref<64xi32, #tpu.memory_space<vmem>>
    %dma_start3A_28 = arith.constant 0 : i32
    %dma_start3A_29 = arith.constant 0 : i32
    %dma_start3A_30 = tpu.memref_slice %arg2[%dma_start3A_28, %dma_start3A_29] : memref<4096x256xf32, #tpu.memory_space<hbm>> -> memref<4096x256xf32, #tpu.memory_space<hbm>>
    tpu.enqueue_indirect_dma source(%dma_start3A_30 : memref<4096x256xf32, #tpu.memory_space<hbm>>) target(%arg6 : memref<64x256xf32, #tpu.memory_space<vmem>>) offsets(%dma_start3A_27 : memref<64xi32, #tpu.memory_space<vmem>>) semaphore(%arg8 : memref<!tpu.dma_semaphore, #tpu.memory_space<semaphore_mem>>)
    %dma_wait3A_31 = arith.constant 64 : i32
    %dma_wait3A_32 = tpu.memref_slice %arg5[%dma_wait3A_31] : memref<256xi32, #tpu.memory_space<vmem>> -> memref<64xi32, #tpu.memory_space<vmem>>
    %dma_wait3A_33 = arith.constant 0 : i32
    %dma_wait3A_34 = arith.constant 0 : i32
    %dma_wait3A_35 = tpu.memref_slice %arg2[%dma_wait3A_33, %dma_wait3A_34] : memref<4096x256xf32, #tpu.memory_space<hbm>> -> memref<4096x256xf32, #tpu.memory_space<hbm>>
    tpu.wait_indirect_dma semaphore(%arg9 : memref<!tpu.dma_semaphore, #tpu.memory_space<semaphore_mem>>) src(%dma_wait3A_35 : memref<4096x256xf32, #tpu.memory_space<hbm>>) dst(%arg7 : memref<64x256xf32, #tpu.memory_space<vmem>>)
    %add3A_36 = arith.constant 64 : i32
    %add3A_37 = arith.addi %mul3A_2, %add3A_36 : i32
    %dma_start3A_38 = arith.constant 0 : i32
    %dma_start3A_39 = tpu.memref_slice %arg4[%add3A_37, %dma_start3A_38] : memref<8192x256xf32, #tpu.memory_space<hbm>> -> memref<64x256xf32, #tpu.memory_space<hbm>>
    %dma_start3A_40 = arith.constant 0 : i32
    %dma_start3A_41 = tpu.memref_slice %arg4[%add3A_37, %dma_start3A_40] : memref<8192x256xf32, #tpu.memory_space<hbm>> -> memref<64x256xf32, #tpu.memory_space<hbm>>
    tpu.enqueue_dma source(%arg7 : memref<64x256xf32, #tpu.memory_space<vmem>>) target(%dma_start3A_41 : memref<64x256xf32, #tpu.memory_space<hbm>>) target_semaphore(%arg11 : memref<!tpu.dma_semaphore, #tpu.memory_space<semaphore_mem>>)
    %dma_wait3A_42 = arith.constant 0 : i32
    %dma_wait3A_43 = tpu.memref_slice %arg4[%add3A_37, %dma_wait3A_42] : memref<8192x256xf32, #tpu.memory_space<hbm>> -> memref<64x256xf32, #tpu.memory_space<hbm>>
    %dma_wait3A_44 = arith.constant 0 : i32
    %dma_wait3A_45 = tpu.memref_slice %arg4[%add3A_37, %dma_wait3A_44] : memref<8192x256xf32, #tpu.memory_space<hbm>> -> memref<64x256xf32, #tpu.memory_space<hbm>>
    tpu.wait_dma2 semaphore(%arg11 : memref<!tpu.dma_semaphore, #tpu.memory_space<semaphore_mem>>) src(%arg7 : memref<64x256xf32, #tpu.memory_space<vmem>>) dst(%dma_wait3A_45 : memref<64x256xf32, #tpu.memory_space<hbm>>)
    %dma_start3A_46 = arith.constant 192 : i32
    %dma_start3A_47 = tpu.memref_slice %arg5[%dma_start3A_46] : memref<256xi32, #tpu.memory_space<vmem>> -> memref<64xi32, #tpu.memory_space<vmem>>
    %dma_start3A_48 = arith.constant 0 : i32
    %dma_start3A_49 = arith.constant 0 : i32
    %dma_start3A_50 = tpu.memref_slice %arg2[%dma_start3A_48, %dma_start3A_49] : memref<4096x256xf32, #tpu.memory_space<hbm>> -> memref<4096x256xf32, #tpu.memory_space<hbm>>
    tpu.enqueue_indirect_dma source(%dma_start3A_50 : memref<4096x256xf32, #tpu.memory_space<hbm>>) target(%arg7 : memref<64x256xf32, #tpu.memory_space<vmem>>) offsets(%dma_start3A_47 : memref<64xi32, #tpu.memory_space<vmem>>) semaphore(%arg9 : memref<!tpu.dma_semaphore, #tpu.memory_space<semaphore_mem>>)
    %dma_wait3A_51 = arith.constant 128 : i32
    %dma_wait3A_52 = tpu.memref_slice %arg5[%dma_wait3A_51] : memref<256xi32, #tpu.memory_space<vmem>> -> memref<64xi32, #tpu.memory_space<vmem>>
    %dma_wait3A_53 = arith.constant 0 : i32
    %dma_wait3A_54 = arith.constant 0 : i32
    %dma_wait3A_55 = tpu.memref_slice %arg2[%dma_wait3A_53, %dma_wait3A_54] : memref<4096x256xf32, #tpu.memory_space<hbm>> -> memref<4096x256xf32, #tpu.memory_space<hbm>>
    tpu.wait_indirect_dma semaphore(%arg8 : memref<!tpu.dma_semaphore, #tpu.memory_space<semaphore_mem>>) src(%dma_wait3A_55 : memref<4096x256xf32, #tpu.memory_space<hbm>>) dst(%arg6 : memref<64x256xf32, #tpu.memory_space<vmem>>)
    %add3A_56 = arith.constant 128 : i32
    %add3A_57 = arith.addi %mul3A_2, %add3A_56 : i32
    %dma_start3A_58 = arith.constant 0 : i32
    %dma_start3A_59 = tpu.memref_slice %arg4[%add3A_57, %dma_start3A_58] : memref<8192x256xf32, #tpu.memory_space<hbm>> -> memref<64x256xf32, #tpu.memory_space<hbm>>
    %dma_start3A_60 = arith.constant 0 : i32
    %dma_start3A_61 = tpu.memref_slice %arg4[%add3A_57, %dma_start3A_60] : memref<8192x256xf32, #tpu.memory_space<hbm>> -> memref<64x256xf32, #tpu.memory_space<hbm>>
    tpu.enqueue_dma source(%arg6 : memref<64x256xf32, #tpu.memory_space<vmem>>) target(%dma_start3A_61 : memref<64x256xf32, #tpu.memory_space<hbm>>) target_semaphore(%arg10 : memref<!tpu.dma_semaphore, #tpu.memory_space<semaphore_mem>>)
    %dma_wait3A_62 = arith.constant 192 : i32
    %dma_wait3A_63 = tpu.memref_slice %arg5[%dma_wait3A_62] : memref<256xi32, #tpu.memory_space<vmem>> -> memref<64xi32, #tpu.memory_space<vmem>>
    %dma_wait3A_64 = arith.constant 0 : i32
    %dma_wait3A_65 = arith.constant 0 : i32
    %dma_wait3A_66 = tpu.memref_slice %arg2[%dma_wait3A_64, %dma_wait3A_65] : memref<4096x256xf32, #tpu.memory_space<hbm>> -> memref<4096x256xf32, #tpu.memory_space<hbm>>
    tpu.wait_indirect_dma semaphore(%arg9 : memref<!tpu.dma_semaphore, #tpu.memory_space<semaphore_mem>>) src(%dma_wait3A_66 : memref<4096x256xf32, #tpu.memory_space<hbm>>) dst(%arg7 : memref<64x256xf32, #tpu.memory_space<vmem>>)
    %add3A_67 = arith.constant 192 : i32
    %add3A_68 = arith.addi %mul3A_2, %add3A_67 : i32
    %dma_start3A_69 = arith.constant 0 : i32
    %dma_start3A_70 = tpu.memref_slice %arg4[%add3A_68, %dma_start3A_69] : memref<8192x256xf32, #tpu.memory_space<hbm>> -> memref<64x256xf32, #tpu.memory_space<hbm>>
    %dma_start3A_71 = arith.constant 0 : i32
    %dma_start3A_72 = tpu.memref_slice %arg4[%add3A_68, %dma_start3A_71] : memref<8192x256xf32, #tpu.memory_space<hbm>> -> memref<64x256xf32, #tpu.memory_space<hbm>>
    tpu.enqueue_dma source(%arg7 : memref<64x256xf32, #tpu.memory_space<vmem>>) target(%dma_start3A_72 : memref<64x256xf32, #tpu.memory_space<hbm>>) target_semaphore(%arg11 : memref<!tpu.dma_semaphore, #tpu.memory_space<semaphore_mem>>)
    %dma_wait3A_73 = arith.constant 0 : i32
    %dma_wait3A_74 = tpu.memref_slice %arg4[%add3A_57, %dma_wait3A_73] : memref<8192x256xf32, #tpu.memory_space<hbm>> -> memref<64x256xf32, #tpu.memory_space<hbm>>
    %dma_wait3A_75 = arith.constant 0 : i32
    %dma_wait3A_76 = tpu.memref_slice %arg4[%add3A_57, %dma_wait3A_75] : memref<8192x256xf32, #tpu.memory_space<hbm>> -> memref<64x256xf32, #tpu.memory_space<hbm>>
    tpu.wait_dma2 semaphore(%arg10 : memref<!tpu.dma_semaphore, #tpu.memory_space<semaphore_mem>>) src(%arg6 : memref<64x256xf32, #tpu.memory_space<vmem>>) dst(%dma_wait3A_76 : memref<64x256xf32, #tpu.memory_space<hbm>>)
    %dma_wait3A_77 = arith.constant 0 : i32
    %dma_wait3A_78 = tpu.memref_slice %arg4[%add3A_68, %dma_wait3A_77] : memref<8192x256xf32, #tpu.memory_space<hbm>> -> memref<64x256xf32, #tpu.memory_space<hbm>>
    %dma_wait3A_79 = arith.constant 0 : i32
    %dma_wait3A_80 = tpu.memref_slice %arg4[%add3A_68, %dma_wait3A_79] : memref<8192x256xf32, #tpu.memory_space<hbm>> -> memref<64x256xf32, #tpu.memory_space<hbm>>
    tpu.wait_dma2 semaphore(%arg11 : memref<!tpu.dma_semaphore, #tpu.memory_space<semaphore_mem>>) src(%arg7 : memref<64x256xf32, #tpu.memory_space<vmem>>) dst(%dma_wait3A_80 : memref<64x256xf32, #tpu.memory_space<hbm>>)
    return
  }
}

module attributes {stable_mosaic.version = 14 : i64} {
  func.func @body(%arg0: i32, %arg1: memref<256x256xf32, #tpu.memory_space<vmem>>, %arg2: memref<4096x256xf32, #tpu.memory_space<vmem>>, %arg3: memref<1x4096xi32, #tpu.memory_space<vmem>>, %arg4: memref<1x4096xi32, #tpu.memory_space<smem>>, %arg5: memref<256x2xf32, #tpu.memory_space<vmem>>, %arg6: memref<256x2xi32, #tpu.memory_space<vmem>>) attributes {dimension_semantics = [#tpu.dimension_semantics<arbitrary>], iteration_bounds = array<i64: 16>, scalar_prefetch = 0 : i64, scratch_operands = 0 : i64, tpu.core_type = #tpu.core_type<tc>, window_params = [{transform_indices = @transform_0, window_bounds = array<i64: 256, 256>}, {pipeline_mode = #tpu.pipeline_mode<synchronous>, transform_indices = @transform_1, window_bounds = array<i64: 4096, 256>}, {pipeline_mode = #tpu.pipeline_mode<synchronous>, transform_indices = @transform_2, window_bounds = array<i64: 1, 4096>}, {transform_indices = @transform_3, window_bounds = array<i64: 1, 4096>}, {transform_indices = @transform_4, window_bounds = array<i64: 256, 2>}, {transform_indices = @transform_5, window_bounds = array<i64: 256, 2>}]} {
    %mul3A = arith.constant 256 : i32
    %mul3A_0 = arith.muli %arg0, %mul3A : i32
    %add3A = arith.constant 0 : i32
    %add3A_1 = arith.addi %add3A, %mul3A_0 : i32
    %get3A = arith.constant 0 : index
    %get3A_2 = arith.index_cast %add3A_1 : i32 to index
    %get3A_3 = vector.load %arg3[%get3A, %get3A_2] : memref<1x4096xi32, #tpu.memory_space<vmem>>, vector<1x256xi32>
    %reshape3A = vector.shape_cast %get3A_3 : vector<1x256xi32> to vector<256x1xi32>
    %get3A_4 = arith.constant 0 : index
    %get3A_5 = arith.constant 0 : index
    %get3A_6 = vector.load %arg3[%get3A_4, %get3A_5] : memref<1x4096xi32, #tpu.memory_space<vmem>>, vector<1x4096xi32>
    %get3A_7 = arith.constant 0 : index
    %get3A_8 = arith.index_cast %add3A_1 : i32 to index
    %get3A_9 = memref.load %arg4[%get3A_7, %get3A_8] : memref<1x4096xi32, #tpu.memory_space<smem>>
    %add3A_10 = arith.constant 256 : i32
    %add3A_11 = arith.addi %add3A_1, %add3A_10 : i32
    %sub3A = arith.constant 1 : i32
    %sub3A_12 = arith.subi %add3A_11, %sub3A : i32
    %get3A_13 = arith.constant 0 : index
    %get3A_14 = arith.index_cast %sub3A_12 : i32 to index
    %get3A_15 = memref.load %arg4[%get3A_13, %get3A_14] : memref<1x4096xi32, #tpu.memory_space<smem>>
    %sub3A_16 = arith.constant 3 : i32
    %sub3A_17 = arith.subi %get3A_9, %sub3A_16 : i32
    %lt3A = vector.broadcast %sub3A_17 : i32 to vector<1x4096xi32>
    %lt3A_18 = arith.cmpi slt, %get3A_6, %lt3A : vector<1x4096xi32>
    %convert_element_type3A = arith.extui %lt3A_18 : vector<1x4096xi1> to vector<1x4096xi32>
    %reduce_sum3A = vector.shape_cast %convert_element_type3A : vector<1x4096xi32> to vector<1x1x4096xi32>
    %reduce_sum3A_19 = arith.constant dense<0> : vector<1xi32>
    %reduce_sum3A_20 = vector.multi_reduction <add>, %reduce_sum3A, %reduce_sum3A_19 [1, 2] : vector<1x1x4096xi32> to vector<1xi32>
    %reduce_sum3A_21 = vector.shape_cast %reduce_sum3A_20 : vector<1xi32> to vector<1x1x1xi32>
    %reduce_sum3A_22 = vector.extract %reduce_sum3A_21[0, 0, 0] : i32 from vector<1x1x1xi32>
    %gt3A = vector.broadcast %get3A_15 : i32 to vector<1x4096xi32>
    %gt3A_23 = arith.cmpi sgt, %get3A_6, %gt3A : vector<1x4096xi32>
    %convert_element_type3A_24 = arith.extui %gt3A_23 : vector<1x4096xi1> to vector<1x4096xi32>
    %reduce_sum3A_25 = vector.shape_cast %convert_element_type3A_24 : vector<1x4096xi32> to vector<1x1x4096xi32>
    %reduce_sum3A_26 = arith.constant dense<0> : vector<1xi32>
    %reduce_sum3A_27 = vector.multi_reduction <add>, %reduce_sum3A_25, %reduce_sum3A_26 [1, 2] : vector<1x1x4096xi32> to vector<1xi32>
    %reduce_sum3A_28 = vector.shape_cast %reduce_sum3A_27 : vector<1xi32> to vector<1x1x1xi32>
    %reduce_sum3A_29 = vector.extract %reduce_sum3A_28[0, 0, 0] : i32 from vector<1x1x1xi32>
    %sub3A_30 = arith.constant 4096 : i32
    %sub3A_31 = arith.subi %sub3A_30, %reduce_sum3A_29 : i32
    %jit3A = arith.constant 256 : i32
    %div3A = arith.divsi %reduce_sum3A_22, %jit3A : i32
    %sign3A = arith.constant 0 : i32
    %sign3A_32 = arith.cmpi sgt, %reduce_sum3A_22, %sign3A : i32
    %sign3A_33 = arith.extui %sign3A_32 : i1 to i32
    %sign3A_34 = arith.constant 0 : i32
    %sign3A_35 = arith.cmpi slt, %reduce_sum3A_22, %sign3A_34 : i32
    %sign3A_36 = arith.extui %sign3A_35 : i1 to i32
    %sign3A_37 = arith.subi %sign3A_33, %sign3A_36 : i32
    %sign3A_38 = arith.constant 0 : i32
    %sign3A_39 = arith.cmpi sgt, %jit3A, %sign3A_38 : i32
    %sign3A_40 = arith.extui %sign3A_39 : i1 to i32
    %sign3A_41 = arith.constant 0 : i32
    %sign3A_42 = arith.cmpi slt, %jit3A, %sign3A_41 : i32
    %sign3A_43 = arith.extui %sign3A_42 : i1 to i32
    %sign3A_44 = arith.subi %sign3A_40, %sign3A_43 : i32
    %ne3A = arith.cmpi ne, %sign3A_37, %sign3A_44 : i32
    %rem3A = arith.remsi %reduce_sum3A_22, %jit3A : i32
    %ne3A_45 = arith.constant 0 : i32
    %ne3A_46 = arith.cmpi ne, %rem3A, %ne3A_45 : i32
    %and3A = arith.andi %ne3A, %ne3A_46 : i1
    %sub3A_47 = arith.constant 1 : i32
    %sub3A_48 = arith.subi %div3A, %sub3A_47 : i32
    %select_n3A = arith.select %and3A, %sub3A_48, %div3A : i32
    %add3A_49 = arith.constant 256 : i32
    %add3A_50 = arith.addi %sub3A_31, %add3A_49 : i32
    %sub3A_51 = arith.constant 1 : i32
    %sub3A_52 = arith.subi %add3A_50, %sub3A_51 : i32
    %jit3A_53 = arith.constant 256 : i32
    %div3A_54 = arith.divsi %sub3A_52, %jit3A_53 : i32
    %sign3A_55 = arith.constant 0 : i32
    %sign3A_56 = arith.cmpi sgt, %sub3A_52, %sign3A_55 : i32
    %sign3A_57 = arith.extui %sign3A_56 : i1 to i32
    %sign3A_58 = arith.constant 0 : i32
    %sign3A_59 = arith.cmpi slt, %sub3A_52, %sign3A_58 : i32
    %sign3A_60 = arith.extui %sign3A_59 : i1 to i32
    %sign3A_61 = arith.subi %sign3A_57, %sign3A_60 : i32
    %sign3A_62 = arith.constant 0 : i32
    %sign3A_63 = arith.cmpi sgt, %jit3A_53, %sign3A_62 : i32
    %sign3A_64 = arith.extui %sign3A_63 : i1 to i32
    %sign3A_65 = arith.constant 0 : i32
    %sign3A_66 = arith.cmpi slt, %jit3A_53, %sign3A_65 : i32
    %sign3A_67 = arith.extui %sign3A_66 : i1 to i32
    %sign3A_68 = arith.subi %sign3A_64, %sign3A_67 : i32
    %ne3A_69 = arith.cmpi ne, %sign3A_61, %sign3A_68 : i32
    %rem3A_70 = arith.remsi %sub3A_52, %jit3A_53 : i32
    %ne3A_71 = arith.constant 0 : i32
    %ne3A_72 = arith.cmpi ne, %rem3A_70, %ne3A_71 : i32
    %and3A_73 = arith.andi %ne3A_69, %ne3A_72 : i1
    %sub3A_74 = arith.constant 1 : i32
    %sub3A_75 = arith.subi %div3A_54, %sub3A_74 : i32
    %select_n3A_76 = arith.select %and3A_73, %sub3A_75, %div3A_54 : i32
    %get3A_77 = arith.constant 0 : index
    %get3A_78 = arith.constant 0 : index
    %get3A_79 = vector.load %arg1[%get3A_77, %get3A_78] : memref<256x256xf32, #tpu.memory_space<vmem>>, vector<256x256xf32>
    %iota3A = tpu.iota {dimensions = array<i32: 0>} : vector<256x256xi32>
    %add3A_80 = vector.broadcast %add3A_1 : i32 to vector<256x256xi32>
    %add3A_81 = arith.addi %add3A_80, %iota3A : vector<256x256xi32>
    %broadcast_in_dim3A = arith.constant -1.000000e+09 : f32
    %broadcast_in_dim3A_82 = vector.broadcast %broadcast_in_dim3A : f32 to vector<256x1xf32>
    %broadcast_in_dim3A_83 = arith.constant 0 : i32
    %broadcast_in_dim3A_84 = vector.broadcast %broadcast_in_dim3A_83 : i32 to vector<256x1xi32>
    %broadcast_in_dim3A_85 = arith.constant -1.000000e+09 : f32
    %broadcast_in_dim3A_86 = vector.broadcast %broadcast_in_dim3A_85 : f32 to vector<256x1xf32>
    %broadcast_in_dim3A_87 = arith.constant 0 : i32
    %broadcast_in_dim3A_88 = vector.broadcast %broadcast_in_dim3A_87 : i32 to vector<256x1xi32>
    %while3A = arith.subi %select_n3A_76, %select_n3A : i32
    %while3A_89 = arith.addi %select_n3A, %while3A : i32
    %while3A_90 = arith.constant 1 : i32
    %while3A_91 = arith.divsi %while3A, %while3A_90 : i32
    %while3A_92 = arith.muli %while3A_91, %while3A_90 : i32
    %while3A_93 = arith.addi %select_n3A, %while3A_92 : i32
    %while3A_94 = arith.constant 1 : i32
    %while3A_95:4 = scf.for %while3A_130 = %select_n3A to %while3A_93 step %while3A_94 iter_args(%while3A_131 = %broadcast_in_dim3A_82, %while3A_132 = %broadcast_in_dim3A_84, %while3A_133 = %broadcast_in_dim3A_86, %while3A_134 = %broadcast_in_dim3A_88) -> (vector<256x1xf32>, vector<256x1xi32>, vector<256x1xf32>, vector<256x1xi32>)  : i32 {
      %mul3A_135 = arith.constant 256 : i32
      %mul3A_136 = arith.muli %while3A_130, %mul3A_135 : i32
      %get3A_137 = arith.index_cast %mul3A_136 : i32 to index
      %get3A_138 = arith.constant 0 : index
      %get3A_139 = vector.load %arg2[%get3A_137, %get3A_138] : memref<4096x256xf32, #tpu.memory_space<vmem>>, vector<256x256xf32>
      %dot_general3A = arith.constant dense<0.000000e+00> : vector<256x256xf32>
      %dot_general3A_140 = tpu.matmul %get3A_79, %get3A_139, %dot_general3A {dimension_numbers = #tpu.dot_dimension_numbers<[1], [1], [0], [0], [0, 0, 1, 0], [], []>, transpose_lhs_hint = false} : vector<256x256xf32>, vector<256x256xf32>, vector<256x256xf32> -> vector<256x256xf32>
      %get3A_141 = arith.constant 0 : index
      %get3A_142 = arith.index_cast %mul3A_136 : i32 to index
      %get3A_143 = vector.load %arg3[%get3A_141, %get3A_142] : memref<1x4096xi32, #tpu.memory_space<vmem>>, vector<1x256xi32>
      %iota3A_144 = tpu.iota {dimensions = array<i32: 1>} : vector<256x256xi32>
      %add3A_145 = vector.broadcast %mul3A_136 : i32 to vector<256x256xi32>
      %add3A_146 = arith.addi %add3A_145, %iota3A_144 : vector<256x256xi32>
      %le3A_147 = vector.broadcast %get3A_143 : vector<1x256xi32> to vector<256x256xi32>
      %le3A_148 = vector.broadcast %reshape3A : vector<256x1xi32> to vector<256x256xi32>
      %le3A_149 = arith.cmpi sle, %le3A_147, %le3A_148 : vector<256x256xi32>
      %sub3A_150 = arith.constant 3 : i32
      %sub3A_151 = vector.broadcast %sub3A_150 : i32 to vector<256x1xi32>
      %sub3A_152 = arith.subi %reshape3A, %sub3A_151 : vector<256x1xi32>
      %ge3A = vector.broadcast %get3A_143 : vector<1x256xi32> to vector<256x256xi32>
      %ge3A_153 = vector.broadcast %sub3A_152 : vector<256x1xi32> to vector<256x256xi32>
      %ge3A_154 = arith.cmpi sge, %ge3A, %ge3A_153 : vector<256x256xi32>
      %and3A_155 = arith.andi %le3A_149, %ge3A_154 : vector<256x256xi1>
      %ne3A_156 = arith.cmpi ne, %add3A_146, %add3A_81 : vector<256x256xi32>
      %and3A_157 = arith.andi %and3A_155, %ne3A_156 : vector<256x256xi1>
      %jit3A_158 = arith.constant -1.000000e+09 : f32
      %broadcast_in_dim3A_159 = vector.broadcast %jit3A_158 : f32 to vector<256x256xf32>
      %select_n3A_160 = arith.select %and3A_157, %dot_general3A_140, %broadcast_in_dim3A_159 : vector<256x256xi1>, vector<256x256xf32>
      %reduce_max3A = arith.constant dense<0xFF800000> : vector<256xf32>
      %reduce_max3A_161 = vector.multi_reduction <maximumf>, %select_n3A_160, %reduce_max3A [1] : vector<256x256xf32> to vector<256xf32>
      %broadcast_in_dim3A_162 = vector.shape_cast %reduce_max3A_161 : vector<256xf32> to vector<256x1xf32>
      %eq3A_163 = vector.broadcast %broadcast_in_dim3A_162 : vector<256x1xf32> to vector<256x256xf32>
      %eq3A_164 = arith.cmpf oeq, %select_n3A_160, %eq3A_163 : vector<256x256xf32>
      %jit3A_165 = arith.constant 4096 : i32
      %broadcast_in_dim3A_166 = vector.broadcast %jit3A_165 : i32 to vector<256x256xi32>
      %select_n3A_167 = arith.select %eq3A_164, %add3A_146, %broadcast_in_dim3A_166 : vector<256x256xi1>, vector<256x256xi32>
      %reduce_min3A = arith.constant dense<2147483647> : vector<256xi32>
      %reduce_min3A_168 = vector.multi_reduction <minsi>, %select_n3A_167, %reduce_min3A [1] : vector<256x256xi32> to vector<256xi32>
      %broadcast_in_dim3A_169 = vector.shape_cast %reduce_min3A_168 : vector<256xi32> to vector<256x1xi32>
      %eq3A_170 = vector.broadcast %broadcast_in_dim3A_169 : vector<256x1xi32> to vector<256x256xi32>
      %eq3A_171 = arith.cmpi eq, %add3A_146, %eq3A_170 : vector<256x256xi32>
      %jit3A_172 = arith.constant 0xFF800000 : f32
      %broadcast_in_dim3A_173 = vector.broadcast %jit3A_172 : f32 to vector<256x256xf32>
      %select_n3A_174 = arith.select %eq3A_171, %broadcast_in_dim3A_173, %select_n3A_160 : vector<256x256xi1>, vector<256x256xf32>
      %reduce_max3A_175 = arith.constant dense<0xFF800000> : vector<256xf32>
      %reduce_max3A_176 = vector.multi_reduction <maximumf>, %select_n3A_174, %reduce_max3A_175 [1] : vector<256x256xf32> to vector<256xf32>
      %broadcast_in_dim3A_177 = vector.shape_cast %reduce_max3A_176 : vector<256xf32> to vector<256x1xf32>
      %eq3A_178 = vector.broadcast %broadcast_in_dim3A_177 : vector<256x1xf32> to vector<256x256xf32>
      %eq3A_179 = arith.cmpf oeq, %select_n3A_174, %eq3A_178 : vector<256x256xf32>
      %jit3A_180 = arith.constant 4096 : i32
      %broadcast_in_dim3A_181 = vector.broadcast %jit3A_180 : i32 to vector<256x256xi32>
      %select_n3A_182 = arith.select %eq3A_179, %add3A_146, %broadcast_in_dim3A_181 : vector<256x256xi1>, vector<256x256xi32>
      %reduce_min3A_183 = arith.constant dense<2147483647> : vector<256xi32>
      %reduce_min3A_184 = vector.multi_reduction <minsi>, %select_n3A_182, %reduce_min3A_183 [1] : vector<256x256xi32> to vector<256xi32>
      %broadcast_in_dim3A_185 = vector.shape_cast %reduce_min3A_184 : vector<256xi32> to vector<256x1xi32>
      %ge3A_186 = arith.cmpf oge, %while3A_131, %broadcast_in_dim3A_162 : vector<256x1xf32>
      %select_n3A_187 = arith.select %ge3A_186, %while3A_131, %broadcast_in_dim3A_162 : vector<256x1xi1>, vector<256x1xf32>
      %select_n3A_188 = arith.select %ge3A_186, %while3A_132, %broadcast_in_dim3A_169 : vector<256x1xi1>, vector<256x1xi32>
      %select_n3A_189 = arith.select %ge3A_186, %while3A_133, %while3A_131 : vector<256x1xi1>, vector<256x1xf32>
      %select_n3A_190 = arith.select %ge3A_186, %while3A_134, %while3A_132 : vector<256x1xi1>, vector<256x1xi32>
      %select_n3A_191 = arith.select %ge3A_186, %broadcast_in_dim3A_162, %broadcast_in_dim3A_177 : vector<256x1xi1>, vector<256x1xf32>
      %select_n3A_192 = arith.select %ge3A_186, %broadcast_in_dim3A_169, %broadcast_in_dim3A_185 : vector<256x1xi1>, vector<256x1xi32>
      %ge3A_193 = arith.cmpf oge, %select_n3A_189, %select_n3A_191 : vector<256x1xf32>
      %select_n3A_194 = arith.select %ge3A_193, %select_n3A_189, %select_n3A_191 : vector<256x1xi1>, vector<256x1xf32>
      %select_n3A_195 = arith.select %ge3A_193, %select_n3A_190, %select_n3A_192 : vector<256x1xi1>, vector<256x1xi32>
      scf.yield %select_n3A_187, %select_n3A_188, %select_n3A_194, %select_n3A_195 : vector<256x1xf32>, vector<256x1xi32>, vector<256x1xf32>, vector<256x1xi32>
    }
    %while3A_96 = arith.constant 1 : i32
    %while3A_97:4 = scf.for %while3A_130 = %while3A_93 to %while3A_89 step %while3A_96 iter_args(%while3A_131 = %while3A_95#0, %while3A_132 = %while3A_95#1, %while3A_133 = %while3A_95#2, %while3A_134 = %while3A_95#3) -> (vector<256x1xf32>, vector<256x1xi32>, vector<256x1xf32>, vector<256x1xi32>)  : i32 {
      %mul3A_135 = arith.constant 256 : i32
      %mul3A_136 = arith.muli %while3A_130, %mul3A_135 : i32
      %get3A_137 = arith.index_cast %mul3A_136 : i32 to index
      %get3A_138 = arith.constant 0 : index
      %get3A_139 = vector.load %arg2[%get3A_137, %get3A_138] : memref<4096x256xf32, #tpu.memory_space<vmem>>, vector<256x256xf32>
      %dot_general3A = arith.constant dense<0.000000e+00> : vector<256x256xf32>
      %dot_general3A_140 = tpu.matmul %get3A_79, %get3A_139, %dot_general3A {dimension_numbers = #tpu.dot_dimension_numbers<[1], [1], [0], [0], [0, 0, 1, 0], [], []>, transpose_lhs_hint = false} : vector<256x256xf32>, vector<256x256xf32>, vector<256x256xf32> -> vector<256x256xf32>
      %get3A_141 = arith.constant 0 : index
      %get3A_142 = arith.index_cast %mul3A_136 : i32 to index
      %get3A_143 = vector.load %arg3[%get3A_141, %get3A_142] : memref<1x4096xi32, #tpu.memory_space<vmem>>, vector<1x256xi32>
      %iota3A_144 = tpu.iota {dimensions = array<i32: 1>} : vector<256x256xi32>
      %add3A_145 = vector.broadcast %mul3A_136 : i32 to vector<256x256xi32>
      %add3A_146 = arith.addi %add3A_145, %iota3A_144 : vector<256x256xi32>
      %le3A_147 = vector.broadcast %get3A_143 : vector<1x256xi32> to vector<256x256xi32>
      %le3A_148 = vector.broadcast %reshape3A : vector<256x1xi32> to vector<256x256xi32>
      %le3A_149 = arith.cmpi sle, %le3A_147, %le3A_148 : vector<256x256xi32>
      %sub3A_150 = arith.constant 3 : i32
      %sub3A_151 = vector.broadcast %sub3A_150 : i32 to vector<256x1xi32>
      %sub3A_152 = arith.subi %reshape3A, %sub3A_151 : vector<256x1xi32>
      %ge3A = vector.broadcast %get3A_143 : vector<1x256xi32> to vector<256x256xi32>
      %ge3A_153 = vector.broadcast %sub3A_152 : vector<256x1xi32> to vector<256x256xi32>
      %ge3A_154 = arith.cmpi sge, %ge3A, %ge3A_153 : vector<256x256xi32>
      %and3A_155 = arith.andi %le3A_149, %ge3A_154 : vector<256x256xi1>
      %ne3A_156 = arith.cmpi ne, %add3A_146, %add3A_81 : vector<256x256xi32>
      %and3A_157 = arith.andi %and3A_155, %ne3A_156 : vector<256x256xi1>
      %jit3A_158 = arith.constant -1.000000e+09 : f32
      %broadcast_in_dim3A_159 = vector.broadcast %jit3A_158 : f32 to vector<256x256xf32>
      %select_n3A_160 = arith.select %and3A_157, %dot_general3A_140, %broadcast_in_dim3A_159 : vector<256x256xi1>, vector<256x256xf32>
      %reduce_max3A = arith.constant dense<0xFF800000> : vector<256xf32>
      %reduce_max3A_161 = vector.multi_reduction <maximumf>, %select_n3A_160, %reduce_max3A [1] : vector<256x256xf32> to vector<256xf32>
      %broadcast_in_dim3A_162 = vector.shape_cast %reduce_max3A_161 : vector<256xf32> to vector<256x1xf32>
      %eq3A_163 = vector.broadcast %broadcast_in_dim3A_162 : vector<256x1xf32> to vector<256x256xf32>
      %eq3A_164 = arith.cmpf oeq, %select_n3A_160, %eq3A_163 : vector<256x256xf32>
      %jit3A_165 = arith.constant 4096 : i32
      %broadcast_in_dim3A_166 = vector.broadcast %jit3A_165 : i32 to vector<256x256xi32>
      %select_n3A_167 = arith.select %eq3A_164, %add3A_146, %broadcast_in_dim3A_166 : vector<256x256xi1>, vector<256x256xi32>
      %reduce_min3A = arith.constant dense<2147483647> : vector<256xi32>
      %reduce_min3A_168 = vector.multi_reduction <minsi>, %select_n3A_167, %reduce_min3A [1] : vector<256x256xi32> to vector<256xi32>
      %broadcast_in_dim3A_169 = vector.shape_cast %reduce_min3A_168 : vector<256xi32> to vector<256x1xi32>
      %eq3A_170 = vector.broadcast %broadcast_in_dim3A_169 : vector<256x1xi32> to vector<256x256xi32>
      %eq3A_171 = arith.cmpi eq, %add3A_146, %eq3A_170 : vector<256x256xi32>
      %jit3A_172 = arith.constant 0xFF800000 : f32
      %broadcast_in_dim3A_173 = vector.broadcast %jit3A_172 : f32 to vector<256x256xf32>
      %select_n3A_174 = arith.select %eq3A_171, %broadcast_in_dim3A_173, %select_n3A_160 : vector<256x256xi1>, vector<256x256xf32>
      %reduce_max3A_175 = arith.constant dense<0xFF800000> : vector<256xf32>
      %reduce_max3A_176 = vector.multi_reduction <maximumf>, %select_n3A_174, %reduce_max3A_175 [1] : vector<256x256xf32> to vector<256xf32>
      %broadcast_in_dim3A_177 = vector.shape_cast %reduce_max3A_176 : vector<256xf32> to vector<256x1xf32>
      %eq3A_178 = vector.broadcast %broadcast_in_dim3A_177 : vector<256x1xf32> to vector<256x256xf32>
      %eq3A_179 = arith.cmpf oeq, %select_n3A_174, %eq3A_178 : vector<256x256xf32>
      %jit3A_180 = arith.constant 4096 : i32
      %broadcast_in_dim3A_181 = vector.broadcast %jit3A_180 : i32 to vector<256x256xi32>
      %select_n3A_182 = arith.select %eq3A_179, %add3A_146, %broadcast_in_dim3A_181 : vector<256x256xi1>, vector<256x256xi32>
      %reduce_min3A_183 = arith.constant dense<2147483647> : vector<256xi32>
      %reduce_min3A_184 = vector.multi_reduction <minsi>, %select_n3A_182, %reduce_min3A_183 [1] : vector<256x256xi32> to vector<256xi32>
      %broadcast_in_dim3A_185 = vector.shape_cast %reduce_min3A_184 : vector<256xi32> to vector<256x1xi32>
      %ge3A_186 = arith.cmpf oge, %while3A_131, %broadcast_in_dim3A_162 : vector<256x1xf32>
      %select_n3A_187 = arith.select %ge3A_186, %while3A_131, %broadcast_in_dim3A_162 : vector<256x1xi1>, vector<256x1xf32>
      %select_n3A_188 = arith.select %ge3A_186, %while3A_132, %broadcast_in_dim3A_169 : vector<256x1xi1>, vector<256x1xi32>
      %select_n3A_189 = arith.select %ge3A_186, %while3A_133, %while3A_131 : vector<256x1xi1>, vector<256x1xf32>
      %select_n3A_190 = arith.select %ge3A_186, %while3A_134, %while3A_132 : vector<256x1xi1>, vector<256x1xi32>
      %select_n3A_191 = arith.select %ge3A_186, %broadcast_in_dim3A_162, %broadcast_in_dim3A_177 : vector<256x1xi1>, vector<256x1xf32>
      %select_n3A_192 = arith.select %ge3A_186, %broadcast_in_dim3A_169, %broadcast_in_dim3A_185 : vector<256x1xi1>, vector<256x1xi32>
      %ge3A_193 = arith.cmpf oge, %select_n3A_189, %select_n3A_191 : vector<256x1xf32>
      %select_n3A_194 = arith.select %ge3A_193, %select_n3A_189, %select_n3A_191 : vector<256x1xi1>, vector<256x1xf32>
      %select_n3A_195 = arith.select %ge3A_193, %select_n3A_190, %select_n3A_192 : vector<256x1xi1>, vector<256x1xi32>
      scf.yield %select_n3A_187, %select_n3A_188, %select_n3A_194, %select_n3A_195 : vector<256x1xf32>, vector<256x1xi32>, vector<256x1xf32>, vector<256x1xi32>
    }
    %le3A = arith.constant -1.000000e+08 : f32
    %le3A_98 = vector.broadcast %le3A : f32 to vector<256x1xf32>
    %le3A_99 = arith.cmpf ole, %while3A_97#0, %le3A_98 : vector<256x1xf32>
    %jit3A_100 = arith.constant 0 : i32
    %broadcast_in_dim3A_101 = vector.broadcast %jit3A_100 : i32 to vector<256x1xi32>
    %select_n3A_102 = arith.select %le3A_99, %broadcast_in_dim3A_101, %while3A_97#1 : vector<256x1xi1>, vector<256x1xi32>
    %not3A = arith.constant dense<true> : vector<256x1xi1>
    %not3A_103 = arith.xori %le3A_99, %not3A : vector<256x1xi1>
    %le3A_104 = arith.constant -1.000000e+08 : f32
    %le3A_105 = vector.broadcast %le3A_104 : f32 to vector<256x1xf32>
    %le3A_106 = arith.cmpf ole, %while3A_97#2, %le3A_105 : vector<256x1xf32>
    %and3A_107 = arith.andi %not3A_103, %le3A_106 : vector<256x1xi1>
    %eq3A = arith.constant 0 : i32
    %eq3A_108 = vector.broadcast %eq3A : i32 to vector<256x1xi32>
    %eq3A_109 = arith.cmpi eq, %select_n3A_102, %eq3A_108 : vector<256x1xi32>
    %jit3A_110 = arith.constant 1 : i32
    %jit3A_111 = arith.constant 0 : i32
    %broadcast_in_dim3A_112 = vector.broadcast %jit3A_110 : i32 to vector<256x1xi32>
    %broadcast_in_dim3A_113 = vector.broadcast %jit3A_111 : i32 to vector<256x1xi32>
    %select_n3A_114 = arith.select %eq3A_109, %broadcast_in_dim3A_112, %broadcast_in_dim3A_113 : vector<256x1xi1>, vector<256x1xi32>
    %select_n3A_115 = arith.select %and3A_107, %select_n3A_114, %while3A_97#3 : vector<256x1xi1>, vector<256x1xi32>
    %jit3A_116 = arith.constant 1 : i32
    %broadcast_in_dim3A_117 = vector.broadcast %jit3A_116 : i32 to vector<256x1xi32>
    %select_n3A_118 = arith.select %le3A_99, %broadcast_in_dim3A_117, %select_n3A_115 : vector<256x1xi1>, vector<256x1xi32>
    %swap3A = arith.constant 0 : index
    %swap3A_119 = arith.constant 0 : index
    %swap3A_120 = vector.load %arg5[%swap3A, %swap3A_119] : memref<256x2xf32, #tpu.memory_space<vmem>>, vector<256x1xf32>
    tpu.vector_store %arg5[%swap3A, %swap3A_119], %while3A_97#0 {strides = array<i32>} : memref<256x2xf32, #tpu.memory_space<vmem>>, vector<256x1xf32>,
    %swap3A_121 = arith.constant 0 : index
    %swap3A_122 = arith.constant 1 : index
    %swap3A_123 = vector.load %arg5[%swap3A_121, %swap3A_122] : memref<256x2xf32, #tpu.memory_space<vmem>>, vector<256x1xf32>
    tpu.vector_store %arg5[%swap3A_121, %swap3A_122], %while3A_97#2 {strides = array<i32>} : memref<256x2xf32, #tpu.memory_space<vmem>>, vector<256x1xf32>,
    %swap3A_124 = arith.constant 0 : index
    %swap3A_125 = arith.constant 0 : index
    %swap3A_126 = vector.load %arg6[%swap3A_124, %swap3A_125] : memref<256x2xi32, #tpu.memory_space<vmem>>, vector<256x1xi32>
    tpu.vector_store %arg6[%swap3A_124, %swap3A_125], %select_n3A_102 {strides = array<i32>} : memref<256x2xi32, #tpu.memory_space<vmem>>, vector<256x1xi32>,
    %swap3A_127 = arith.constant 0 : index
    %swap3A_128 = arith.constant 1 : index
    %swap3A_129 = vector.load %arg6[%swap3A_127, %swap3A_128] : memref<256x2xi32, #tpu.memory_space<vmem>>, vector<256x1xi32>
    tpu.vector_store %arg6[%swap3A_127, %swap3A_128], %select_n3A_118 {strides = array<i32>} : memref<256x2xi32, #tpu.memory_space<vmem>>, vector<256x1xi32>,
    return
  }
  func.func @transform_0(%arg0: i32) -> (i32, i32) {
    %c0_i32 = arith.constant 0 : i32
    %c0_i32_0 = arith.constant 0 : i32
    return %arg0, %c0_i32 : i32, i32
  }
  func.func @transform_1(%arg0: i32) -> (i32, i32) {
    %c0_i32 = arith.constant 0 : i32
    %c0_i32_0 = arith.constant 0 : i32
    %c0_i32_1 = arith.constant 0 : i32
    return %c0_i32, %c0_i32_0 : i32, i32
  }
  func.func @transform_2(%arg0: i32) -> (i32, i32) {
    %c0_i32 = arith.constant 0 : i32
    %c0_i32_0 = arith.constant 0 : i32
    %c0_i32_1 = arith.constant 0 : i32
    return %c0_i32, %c0_i32_0 : i32, i32
  }
  func.func @transform_3(%arg0: i32) -> (i32, i32) {
    %c0_i32 = arith.constant 0 : i32
    %c0_i32_0 = arith.constant 0 : i32
    %c0_i32_1 = arith.constant 0 : i32
    return %c0_i32, %c0_i32_0 : i32, i32
  }
  func.func @transform_4(%arg0: i32) -> (i32, i32) {
    %c0_i32 = arith.constant 0 : i32
    %c0_i32_0 = arith.constant 0 : i32
    return %arg0, %c0_i32 : i32, i32
  }
  func.func @transform_5(%arg0: i32) -> (i32, i32) {
    %c0_i32 = arith.constant 0 : i32
    %c0_i32_0 = arith.constant 0 : i32
    return %arg0, %c0_i32 : i32, i32
  }
}

module attributes {stable_mosaic.version = 14 : i64} {
  func.func @_dense_body(%arg0: memref<4096x2xf32, #tpu.memory_space<vmem>>, %arg1: memref<1x128xf32, #tpu.memory_space<vmem>>, %arg2: memref<256x2xf32, #tpu.memory_space<vmem>>, %arg3: memref<1x256xf32, #tpu.memory_space<vmem>>, %arg4: memref<256x256xf32, #tpu.memory_space<vmem>>, %arg5: memref<1x256xf32, #tpu.memory_space<vmem>>, %arg6: memref<256x384xf32, #tpu.memory_space<vmem>>, %arg7: memref<1x256xf32, #tpu.memory_space<vmem>>, %arg8: memref<256x256xf32, #tpu.memory_space<vmem>>, %arg9: memref<256x256xf32, #tpu.memory_space<vmem>>, %arg10: memref<4096x256xf32, #tpu.memory_space<vmem>>, %arg11: memref<4096x256xf32, #tpu.memory_space<vmem>>, %arg12: memref<4096x256xf32, #tpu.memory_space<vmem>>) attributes {dimension_semantics = [], scalar_prefetch = 0 : i64, scratch_operands = 0 : i64, tpu.core_type = #tpu.core_type<tc>} {
    %get3A = arith.constant 0 : index
    %get3A_0 = arith.constant 0 : index
    %get3A_1 = vector.load %arg0[%get3A, %get3A_0] : memref<4096x2xf32, #tpu.memory_space<vmem>>, vector<4096x2xf32>
    %get3A_2 = arith.constant 0 : index
    %get3A_3 = arith.constant 0 : index
    %get3A_4 = vector.load %arg2[%get3A_2, %get3A_3] : memref<256x2xf32, #tpu.memory_space<vmem>>, vector<256x2xf32>
    %dot_general3A = arith.constant dense<0.000000e+00> : vector<4096x256xf32>
    %dot_general3A_5 = tpu.matmul %get3A_1, %get3A_4, %dot_general3A {dimension_numbers = #tpu.dot_dimension_numbers<[1], [1], [0], [0], [0, 0, 1, 0], [], []>, transpose_lhs_hint = false} : vector<4096x2xf32>, vector<256x2xf32>, vector<4096x256xf32> -> vector<4096x256xf32>
    %get3A_6 = arith.constant 0 : index
    %get3A_7 = arith.constant 0 : index
    %get3A_8 = vector.load %arg3[%get3A_6, %get3A_7] : memref<1x256xf32, #tpu.memory_space<vmem>>, vector<1x256xf32>
    %add3A = vector.broadcast %get3A_8 : vector<1x256xf32> to vector<4096x256xf32>
    %add3A_9 = arith.addf %dot_general3A_5, %add3A : vector<4096x256xf32>
    %max3A = arith.constant 0.000000e+00 : f32
    %max3A_10 = vector.broadcast %max3A : f32 to vector<4096x256xf32>
    %max3A_11 = arith.maximumf %add3A_9, %max3A_10 : vector<4096x256xf32>
    %get3A_12 = arith.constant 0 : index
    %get3A_13 = arith.constant 0 : index
    %get3A_14 = vector.load %arg4[%get3A_12, %get3A_13] : memref<256x256xf32, #tpu.memory_space<vmem>>, vector<256x256xf32>
    %dot_general3A_15 = arith.constant dense<0.000000e+00> : vector<4096x256xf32>
    %dot_general3A_16 = tpu.matmul %max3A_11, %get3A_14, %dot_general3A_15 {dimension_numbers = #tpu.dot_dimension_numbers<[1], [1], [0], [0], [0, 0, 1, 0], [], []>, transpose_lhs_hint = false} : vector<4096x256xf32>, vector<256x256xf32>, vector<4096x256xf32> -> vector<4096x256xf32>
    %get3A_17 = arith.constant 0 : index
    %get3A_18 = arith.constant 0 : index
    %get3A_19 = vector.load %arg5[%get3A_17, %get3A_18] : memref<1x256xf32, #tpu.memory_space<vmem>>, vector<1x256xf32>
    %add3A_20 = vector.broadcast %get3A_19 : vector<1x256xf32> to vector<4096x256xf32>
    %add3A_21 = arith.addf %dot_general3A_16, %add3A_20 : vector<4096x256xf32>
    %get3A_22 = arith.constant 0 : index
    %get3A_23 = arith.constant 0 : index
    %get3A_24 = vector.load %arg1[%get3A_22, %get3A_23] : memref<1x128xf32, #tpu.memory_space<vmem>>, vector<1x128xf32>
    %broadcast_in_dim3A = vector.shape_cast %get3A_24 : vector<1x128xf32> to vector<1x128xf32>
    %broadcast_in_dim3A_25 = vector.broadcast %broadcast_in_dim3A : vector<1x128xf32> to vector<4096x128xf32>
    %concatenate3A = tpu.concatenate %add3A_21, %broadcast_in_dim3A_25 in 1 : vector<4096x256xf32>, vector<4096x128xf32> -> vector<4096x384xf32>
    %get3A_26 = arith.constant 0 : index
    %get3A_27 = arith.constant 0 : index
    %get3A_28 = vector.load %arg6[%get3A_26, %get3A_27] : memref<256x384xf32, #tpu.memory_space<vmem>>, vector<256x384xf32>
    %dot_general3A_29 = arith.constant dense<0.000000e+00> : vector<4096x256xf32>
    %dot_general3A_30 = tpu.matmul %concatenate3A, %get3A_28, %dot_general3A_29 {dimension_numbers = #tpu.dot_dimension_numbers<[1], [1], [0], [0], [0, 0, 1, 0], [], []>, transpose_lhs_hint = false} : vector<4096x384xf32>, vector<256x384xf32>, vector<4096x256xf32> -> vector<4096x256xf32>
    %get3A_31 = arith.constant 0 : index
    %get3A_32 = arith.constant 0 : index
    %get3A_33 = vector.load %arg7[%get3A_31, %get3A_32] : memref<1x256xf32, #tpu.memory_space<vmem>>, vector<1x256xf32>
    %add3A_34 = vector.broadcast %get3A_33 : vector<1x256xf32> to vector<4096x256xf32>
    %add3A_35 = arith.addf %dot_general3A_30, %add3A_34 : vector<4096x256xf32>
    %max3A_36 = arith.constant 0.000000e+00 : f32
    %max3A_37 = vector.broadcast %max3A_36 : f32 to vector<4096x256xf32>
    %max3A_38 = arith.maximumf %add3A_35, %max3A_37 : vector<4096x256xf32>
    %swap3A = arith.constant 0 : index
    %swap3A_39 = arith.constant 0 : index
    %swap3A_40 = vector.load %arg10[%swap3A, %swap3A_39] : memref<4096x256xf32, #tpu.memory_space<vmem>>, vector<4096x256xf32>
    tpu.vector_store %arg10[%swap3A, %swap3A_39], %max3A_38 {strides = array<i32>} : memref<4096x256xf32, #tpu.memory_space<vmem>>, vector<4096x256xf32>,
    %get3A_41 = arith.constant 0 : index
    %get3A_42 = arith.constant 0 : index
    %get3A_43 = vector.load %arg8[%get3A_41, %get3A_42] : memref<256x256xf32, #tpu.memory_space<vmem>>, vector<256x256xf32>
    %dot_general3A_44 = arith.constant dense<0.000000e+00> : vector<4096x256xf32>
    %dot_general3A_45 = tpu.matmul %max3A_38, %get3A_43, %dot_general3A_44 {dimension_numbers = #tpu.dot_dimension_numbers<[1], [1], [0], [0], [0, 0, 1, 0], [], []>, transpose_lhs_hint = false} : vector<4096x256xf32>, vector<256x256xf32>, vector<4096x256xf32> -> vector<4096x256xf32>
    %swap3A_46 = arith.constant 0 : index
    %swap3A_47 = arith.constant 0 : index
    %swap3A_48 = vector.load %arg11[%swap3A_46, %swap3A_47] : memref<4096x256xf32, #tpu.memory_space<vmem>>, vector<4096x256xf32>
    tpu.vector_store %arg11[%swap3A_46, %swap3A_47], %dot_general3A_45 {strides = array<i32>} : memref<4096x256xf32, #tpu.memory_space<vmem>>, vector<4096x256xf32>,
    %get3A_49 = arith.constant 0 : index
    %get3A_50 = arith.constant 0 : index
    %get3A_51 = vector.load %arg9[%get3A_49, %get3A_50] : memref<256x256xf32, #tpu.memory_space<vmem>>, vector<256x256xf32>
    %dot_general3A_52 = arith.constant dense<0.000000e+00> : vector<4096x256xf32>
    %dot_general3A_53 = tpu.matmul %max3A_38, %get3A_51, %dot_general3A_52 {dimension_numbers = #tpu.dot_dimension_numbers<[1], [1], [0], [0], [0, 0, 1, 0], [], []>, transpose_lhs_hint = false} : vector<4096x256xf32>, vector<256x256xf32>, vector<4096x256xf32> -> vector<4096x256xf32>
    %swap3A_54 = arith.constant 0 : index
    %swap3A_55 = arith.constant 0 : index
    %swap3A_56 = vector.load %arg12[%swap3A_54, %swap3A_55] : memref<4096x256xf32, #tpu.memory_space<vmem>>, vector<4096x256xf32>
    tpu.vector_store %arg12[%swap3A_54, %swap3A_55], %dot_general3A_53 {strides = array<i32>} : memref<4096x256xf32, #tpu.memory_space<vmem>>, vector<4096x256xf32>,
    return
  }
}

module attributes {stable_mosaic.version = 14 : i64} {
  func.func @body(%arg0: memref<8192x256xf32, #tpu.memory_space<vmem>>, %arg1: memref<4096x256xf32, #tpu.memory_space<vmem>>, %arg2: memref<1x128xf32, #tpu.memory_space<vmem>>, %arg3: memref<256x640xf32, #tpu.memory_space<vmem>>, %arg4: memref<1x256xf32, #tpu.memory_space<vmem>>, %arg5: memref<128x256xf32, #tpu.memory_space<vmem>>, %arg6: memref<1x128xf32, #tpu.memory_space<vmem>>, %arg7: memref<4096x1xi32, #tpu.memory_space<vmem>>, %arg8: memref<4096x2xf32, #tpu.memory_space<vmem>>, %arg9: memref<4096x2xi32, #tpu.memory_space<vmem>>, %arg10: memref<4096x2xi32, #tpu.memory_space<vmem>>, %arg11: memref<4096x2xi32, #tpu.memory_space<vmem>>, %arg12: memref<4096x2xi32, #tpu.memory_space<vmem>>, %arg13: memref<4096x2xf32, #tpu.memory_space<vmem>>) attributes {dimension_semantics = [], scalar_prefetch = 0 : i64, scratch_operands = 0 : i64, tpu.core_type = #tpu.core_type<tc>} {
    %get3A = arith.constant 0 : index
    %get3A_0 = arith.constant 0 : index
    %get3A_1 = vector.load %arg1[%get3A, %get3A_0] : memref<4096x256xf32, #tpu.memory_space<vmem>>, vector<4096x256xf32>
    %get3A_2 = arith.constant 0 : index
    %get3A_3 = arith.constant 0 : index
    %get3A_4 = vector.load %arg2[%get3A_2, %get3A_3] : memref<1x128xf32, #tpu.memory_space<vmem>>, vector<1x128xf32>
    %broadcast_in_dim3A = vector.shape_cast %get3A_4 : vector<1x128xf32> to vector<1x128xf32>
    %broadcast_in_dim3A_5 = vector.broadcast %broadcast_in_dim3A : vector<1x128xf32> to vector<4096x128xf32>
    %get3A_6 = arith.constant 0 : index
    %get3A_7 = arith.constant 0 : index
    %get3A_8 = vector.load %arg7[%get3A_6, %get3A_7] : memref<4096x1xi32, #tpu.memory_space<vmem>>, vector<4096x1xi32>
    %eq3A = arith.constant 2 : i32
    %eq3A_9 = vector.broadcast %eq3A : i32 to vector<4096x1xi32>
    %eq3A_10 = arith.cmpi eq, %get3A_8, %eq3A_9 : vector<4096x1xi32>
    %eq3A_11 = arith.constant 1 : i32
    %eq3A_12 = vector.broadcast %eq3A_11 : i32 to vector<4096x1xi32>
    %eq3A_13 = arith.cmpi eq, %get3A_8, %eq3A_12 : vector<4096x1xi32>
    %jit3A = arith.constant 1 : i32
    %jit3A_14 = arith.constant 0 : i32
    %broadcast_in_dim3A_15 = vector.broadcast %jit3A : i32 to vector<4096x1xi32>
    %broadcast_in_dim3A_16 = vector.broadcast %jit3A_14 : i32 to vector<4096x1xi32>
    %select_n3A = arith.select %eq3A_13, %broadcast_in_dim3A_15, %broadcast_in_dim3A_16 : vector<4096x1xi1>, vector<4096x1xi32>
    %jit3A_17 = arith.constant 2 : i32
    %broadcast_in_dim3A_18 = vector.broadcast %jit3A_17 : i32 to vector<4096x1xi32>
    %select_n3A_19 = arith.select %eq3A_10, %broadcast_in_dim3A_18, %select_n3A : vector<4096x1xi1>, vector<4096x1xi32>
    %iota3A = tpu.iota {dimensions = array<i32: 0>} : vector<4096x1xi32>
    %add3A = arith.constant 0 : i32
    %add3A_20 = vector.broadcast %add3A : i32 to vector<4096x1xi32>
    %add3A_21 = arith.addi %add3A_20, %iota3A : vector<4096x1xi32>
    %get3A_22 = arith.constant 0 : index
    %get3A_23 = arith.constant 0 : index
    %get3A_24 = vector.load %arg0[%get3A_22, %get3A_23] : memref<8192x256xf32, #tpu.memory_space<vmem>>, vector<4096x256xf32>
    %concatenate3A = tpu.concatenate %get3A_24, %get3A_1, %broadcast_in_dim3A_5 in 1 : vector<4096x256xf32>, vector<4096x256xf32>, vector<4096x128xf32> -> vector<4096x640xf32>
    %get3A_25 = arith.constant 0 : index
    %get3A_26 = arith.constant 0 : index
    %get3A_27 = vector.load %arg3[%get3A_25, %get3A_26] : memref<256x640xf32, #tpu.memory_space<vmem>>, vector<256x640xf32>
    %dot_general3A = arith.constant dense<0.000000e+00> : vector<4096x256xf32>
    %dot_general3A_28 = tpu.matmul %concatenate3A, %get3A_27, %dot_general3A {dimension_numbers = #tpu.dot_dimension_numbers<[1], [1], [0], [0], [0, 0, 1, 0], [], []>, transpose_lhs_hint = false} : vector<4096x640xf32>, vector<256x640xf32>, vector<4096x256xf32> -> vector<4096x256xf32>
    %get3A_29 = arith.constant 0 : index
    %get3A_30 = arith.constant 0 : index
    %get3A_31 = vector.load %arg4[%get3A_29, %get3A_30] : memref<1x256xf32, #tpu.memory_space<vmem>>, vector<1x256xf32>
    %add3A_32 = vector.broadcast %get3A_31 : vector<1x256xf32> to vector<4096x256xf32>
    %add3A_33 = arith.addf %dot_general3A_28, %add3A_32 : vector<4096x256xf32>
    %max3A = arith.constant 0.000000e+00 : f32
    %max3A_34 = vector.broadcast %max3A : f32 to vector<4096x256xf32>
    %max3A_35 = arith.maximumf %add3A_33, %max3A_34 : vector<4096x256xf32>
    %get3A_36 = arith.constant 0 : index
    %get3A_37 = arith.constant 0 : index
    %get3A_38 = vector.load %arg5[%get3A_36, %get3A_37] : memref<128x256xf32, #tpu.memory_space<vmem>>, vector<128x256xf32>
    %dot_general3A_39 = arith.constant dense<0.000000e+00> : vector<4096x128xf32>
    %dot_general3A_40 = tpu.matmul %max3A_35, %get3A_38, %dot_general3A_39 {dimension_numbers = #tpu.dot_dimension_numbers<[1], [1], [0], [0], [0, 0, 1, 0], [], []>, transpose_lhs_hint = false} : vector<4096x256xf32>, vector<128x256xf32>, vector<4096x128xf32> -> vector<4096x128xf32>
    %get3A_41 = arith.constant 0 : index
    %get3A_42 = arith.constant 0 : index
    %get3A_43 = vector.load %arg6[%get3A_41, %get3A_42] : memref<1x128xf32, #tpu.memory_space<vmem>>, vector<1x128xf32>
    %add3A_44 = vector.broadcast %get3A_43 : vector<1x128xf32> to vector<4096x128xf32>
    %add3A_45 = arith.addf %dot_general3A_40, %add3A_44 : vector<4096x128xf32>
    %slice3A = vector.extract_strided_slice %add3A_45 {offsets = [0, 0], sizes = [4096, 1], strides = [1, 1]} : vector<4096x128xf32> to vector<4096x1xf32>
    %gt3A = arith.constant 0.000000e+00 : f32
    %gt3A_46 = vector.broadcast %gt3A : f32 to vector<4096x1xf32>
    %gt3A_47 = arith.cmpf ogt, %slice3A, %gt3A_46 : vector<4096x1xf32>
    %convert_element_type3A = arith.extui %gt3A_47 : vector<4096x1xi1> to vector<4096x1xi32>
    %gt3A_48 = arith.constant 0 : i32
    %gt3A_49 = vector.broadcast %gt3A_48 : i32 to vector<4096x1xi32>
    %gt3A_50 = arith.cmpi sgt, %select_n3A_19, %gt3A_49 : vector<4096x1xi32>
    %get3A_51 = arith.constant 0 : index
    %get3A_52 = arith.constant 0 : index
    %get3A_53 = vector.load %arg8[%get3A_51, %get3A_52] : memref<4096x2xf32, #tpu.memory_space<vmem>>, vector<4096x1xf32>
    %gt3A_54 = arith.constant -1.000000e+08 : f32
    %gt3A_55 = vector.broadcast %gt3A_54 : f32 to vector<4096x1xf32>
    %gt3A_56 = arith.cmpf ogt, %get3A_53, %gt3A_55 : vector<4096x1xf32>
    %and3A = arith.andi %gt3A_50, %gt3A_56 : vector<4096x1xi1>
    %get3A_57 = arith.constant 0 : index
    %get3A_58 = arith.constant 0 : index
    %get3A_59 = vector.load %arg9[%get3A_57, %get3A_58] : memref<4096x2xi32, #tpu.memory_space<vmem>>, vector<4096x1xi32>
    %jit3A_60 = arith.constant -1 : i32
    %broadcast_in_dim3A_61 = vector.broadcast %jit3A_60 : i32 to vector<4096x1xi32>
    %select_n3A_62 = arith.select %and3A, %get3A_59, %broadcast_in_dim3A_61 : vector<4096x1xi1>, vector<4096x1xi32>
    %swap3A = arith.constant 0 : index
    %swap3A_63 = arith.constant 0 : index
    %swap3A_64 = vector.load %arg10[%swap3A, %swap3A_63] : memref<4096x2xi32, #tpu.memory_space<vmem>>, vector<4096x1xi32>
    tpu.vector_store %arg10[%swap3A, %swap3A_63], %select_n3A_62 {strides = array<i32>} : memref<4096x2xi32, #tpu.memory_space<vmem>>, vector<4096x1xi32>,
    %jit3A_65 = arith.constant -1 : i32
    %broadcast_in_dim3A_66 = vector.broadcast %jit3A_65 : i32 to vector<4096x1xi32>
    %select_n3A_67 = arith.select %and3A, %add3A_21, %broadcast_in_dim3A_66 : vector<4096x1xi1>, vector<4096x1xi32>
    %swap3A_68 = arith.constant 0 : index
    %swap3A_69 = arith.constant 0 : index
    %swap3A_70 = vector.load %arg11[%swap3A_68, %swap3A_69] : memref<4096x2xi32, #tpu.memory_space<vmem>>, vector<4096x1xi32>
    tpu.vector_store %arg11[%swap3A_68, %swap3A_69], %select_n3A_67 {strides = array<i32>} : memref<4096x2xi32, #tpu.memory_space<vmem>>, vector<4096x1xi32>,
    %jit3A_71 = arith.constant 0 : i32
    %broadcast_in_dim3A_72 = vector.broadcast %jit3A_71 : i32 to vector<4096x1xi32>
    %select_n3A_73 = arith.select %and3A, %convert_element_type3A, %broadcast_in_dim3A_72 : vector<4096x1xi1>, vector<4096x1xi32>
    %swap3A_74 = arith.constant 0 : index
    %swap3A_75 = arith.constant 0 : index
    %swap3A_76 = vector.load %arg12[%swap3A_74, %swap3A_75] : memref<4096x2xi32, #tpu.memory_space<vmem>>, vector<4096x1xi32>
    tpu.vector_store %arg12[%swap3A_74, %swap3A_75], %select_n3A_73 {strides = array<i32>} : memref<4096x2xi32, #tpu.memory_space<vmem>>, vector<4096x1xi32>,
    %swap3A_77 = arith.constant 0 : index
    %swap3A_78 = arith.constant 0 : index
    %swap3A_79 = vector.load %arg13[%swap3A_77, %swap3A_78] : memref<4096x2xf32, #tpu.memory_space<vmem>>, vector<4096x1xf32>
    tpu.vector_store %arg13[%swap3A_77, %swap3A_78], %slice3A {strides = array<i32>} : memref<4096x2xf32, #tpu.memory_space<vmem>>, vector<4096x1xf32>,
    %get3A_80 = arith.constant 4096 : index
    %get3A_81 = arith.constant 0 : index
    %get3A_82 = vector.load %arg0[%get3A_80, %get3A_81] : memref<8192x256xf32, #tpu.memory_space<vmem>>, vector<4096x256xf32>
    %concatenate3A_83 = tpu.concatenate %get3A_82, %get3A_1, %broadcast_in_dim3A_5 in 1 : vector<4096x256xf32>, vector<4096x256xf32>, vector<4096x128xf32> -> vector<4096x640xf32>
    %get3A_84 = arith.constant 0 : index
    %get3A_85 = arith.constant 0 : index
    %get3A_86 = vector.load %arg3[%get3A_84, %get3A_85] : memref<256x640xf32, #tpu.memory_space<vmem>>, vector<256x640xf32>
    %dot_general3A_87 = arith.constant dense<0.000000e+00> : vector<4096x256xf32>
    %dot_general3A_88 = tpu.matmul %concatenate3A_83, %get3A_86, %dot_general3A_87 {dimension_numbers = #tpu.dot_dimension_numbers<[1], [1], [0], [0], [0, 0, 1, 0], [], []>, transpose_lhs_hint = false} : vector<4096x640xf32>, vector<256x640xf32>, vector<4096x256xf32> -> vector<4096x256xf32>
    %get3A_89 = arith.constant 0 : index
    %get3A_90 = arith.constant 0 : index
    %get3A_91 = vector.load %arg4[%get3A_89, %get3A_90] : memref<1x256xf32, #tpu.memory_space<vmem>>, vector<1x256xf32>
    %add3A_92 = vector.broadcast %get3A_91 : vector<1x256xf32> to vector<4096x256xf32>
    %add3A_93 = arith.addf %dot_general3A_88, %add3A_92 : vector<4096x256xf32>
    %max3A_94 = arith.constant 0.000000e+00 : f32
    %max3A_95 = vector.broadcast %max3A_94 : f32 to vector<4096x256xf32>
    %max3A_96 = arith.maximumf %add3A_93, %max3A_95 : vector<4096x256xf32>
    %get3A_97 = arith.constant 0 : index
    %get3A_98 = arith.constant 0 : index
    %get3A_99 = vector.load %arg5[%get3A_97, %get3A_98] : memref<128x256xf32, #tpu.memory_space<vmem>>, vector<128x256xf32>
    %dot_general3A_100 = arith.constant dense<0.000000e+00> : vector<4096x128xf32>
    %dot_general3A_101 = tpu.matmul %max3A_96, %get3A_99, %dot_general3A_100 {dimension_numbers = #tpu.dot_dimension_numbers<[1], [1], [0], [0], [0, 0, 1, 0], [], []>, transpose_lhs_hint = false} : vector<4096x256xf32>, vector<128x256xf32>, vector<4096x128xf32> -> vector<4096x128xf32>
    %get3A_102 = arith.constant 0 : index
    %get3A_103 = arith.constant 0 : index
    %get3A_104 = vector.load %arg6[%get3A_102, %get3A_103] : memref<1x128xf32, #tpu.memory_space<vmem>>, vector<1x128xf32>
    %add3A_105 = vector.broadcast %get3A_104 : vector<1x128xf32> to vector<4096x128xf32>
    %add3A_106 = arith.addf %dot_general3A_101, %add3A_105 : vector<4096x128xf32>
    %slice3A_107 = vector.extract_strided_slice %add3A_106 {offsets = [0, 0], sizes = [4096, 1], strides = [1, 1]} : vector<4096x128xf32> to vector<4096x1xf32>
    %gt3A_108 = arith.constant 0.000000e+00 : f32
    %gt3A_109 = vector.broadcast %gt3A_108 : f32 to vector<4096x1xf32>
    %gt3A_110 = arith.cmpf ogt, %slice3A_107, %gt3A_109 : vector<4096x1xf32>
    %convert_element_type3A_111 = arith.extui %gt3A_110 : vector<4096x1xi1> to vector<4096x1xi32>
    %gt3A_112 = arith.constant 1 : i32
    %gt3A_113 = vector.broadcast %gt3A_112 : i32 to vector<4096x1xi32>
    %gt3A_114 = arith.cmpi sgt, %select_n3A_19, %gt3A_113 : vector<4096x1xi32>
    %get3A_115 = arith.constant 0 : index
    %get3A_116 = arith.constant 1 : index
    %get3A_117 = vector.load %arg8[%get3A_115, %get3A_116] : memref<4096x2xf32, #tpu.memory_space<vmem>>, vector<4096x1xf32>
    %gt3A_118 = arith.constant -1.000000e+08 : f32
    %gt3A_119 = vector.broadcast %gt3A_118 : f32 to vector<4096x1xf32>
    %gt3A_120 = arith.cmpf ogt, %get3A_117, %gt3A_119 : vector<4096x1xf32>
    %and3A_121 = arith.andi %gt3A_114, %gt3A_120 : vector<4096x1xi1>
    %get3A_122 = arith.constant 0 : index
    %get3A_123 = arith.constant 1 : index
    %get3A_124 = vector.load %arg9[%get3A_122, %get3A_123] : memref<4096x2xi32, #tpu.memory_space<vmem>>, vector<4096x1xi32>
    %jit3A_125 = arith.constant -1 : i32
    %broadcast_in_dim3A_126 = vector.broadcast %jit3A_125 : i32 to vector<4096x1xi32>
    %select_n3A_127 = arith.select %and3A_121, %get3A_124, %broadcast_in_dim3A_126 : vector<4096x1xi1>, vector<4096x1xi32>
    %swap3A_128 = arith.constant 0 : index
    %swap3A_129 = arith.constant 1 : index
    %swap3A_130 = vector.load %arg10[%swap3A_128, %swap3A_129] : memref<4096x2xi32, #tpu.memory_space<vmem>>, vector<4096x1xi32>
    tpu.vector_store %arg10[%swap3A_128, %swap3A_129], %select_n3A_127 {strides = array<i32>} : memref<4096x2xi32, #tpu.memory_space<vmem>>, vector<4096x1xi32>,
    %jit3A_131 = arith.constant -1 : i32
    %broadcast_in_dim3A_132 = vector.broadcast %jit3A_131 : i32 to vector<4096x1xi32>
    %select_n3A_133 = arith.select %and3A_121, %add3A_21, %broadcast_in_dim3A_132 : vector<4096x1xi1>, vector<4096x1xi32>
    %swap3A_134 = arith.constant 0 : index
    %swap3A_135 = arith.constant 1 : index
    %swap3A_136 = vector.load %arg11[%swap3A_134, %swap3A_135] : memref<4096x2xi32, #tpu.memory_space<vmem>>, vector<4096x1xi32>
    tpu.vector_store %arg11[%swap3A_134, %swap3A_135], %select_n3A_133 {strides = array<i32>} : memref<4096x2xi32, #tpu.memory_space<vmem>>, vector<4096x1xi32>,
    %jit3A_137 = arith.constant 0 : i32
    %broadcast_in_dim3A_138 = vector.broadcast %jit3A_137 : i32 to vector<4096x1xi32>
    %select_n3A_139 = arith.select %and3A_121, %convert_element_type3A_111, %broadcast_in_dim3A_138 : vector<4096x1xi1>, vector<4096x1xi32>
    %swap3A_140 = arith.constant 0 : index
    %swap3A_141 = arith.constant 1 : index
    %swap3A_142 = vector.load %arg12[%swap3A_140, %swap3A_141] : memref<4096x2xi32, #tpu.memory_space<vmem>>, vector<4096x1xi32>
    tpu.vector_store %arg12[%swap3A_140, %swap3A_141], %select_n3A_139 {strides = array<i32>} : memref<4096x2xi32, #tpu.memory_space<vmem>>, vector<4096x1xi32>,
    %swap3A_143 = arith.constant 0 : index
    %swap3A_144 = arith.constant 1 : index
    %swap3A_145 = vector.load %arg13[%swap3A_143, %swap3A_144] : memref<4096x2xf32, #tpu.memory_space<vmem>>, vector<4096x1xf32>
    tpu.vector_store %arg13[%swap3A_143, %swap3A_144], %slice3A_107 {strides = array<i32>} : memref<4096x2xf32, #tpu.memory_space<vmem>>, vector<4096x1xf32>,
    return
  }
}

</mosaic_0001>

<sc_bundles>
// kernel: kernel.6.cloned.1.call-start
scs
__scs_entry_jumppad:
0x0: {  	(pc) =	sbr.rel $0x88, $3  }
0x1: {  	(tag) =	ssettag $0x0;
	lr =	simm.s32 $0x1  }
0x2: {  	[smem:$0x3F91] =	sst lr;
	_ =	strace $0xD0000000  }
0x3: {  	_ = 	snop  }
0x4: {  	_ = 	snop  }
0x5: {  	_ = 	snop  }
0x6: {  	_ = 	snop  }
0x7: {  	_ = 	snop  }
__scs_overlays_trampoline_lowered:
0x8: {  	[smem:$0x3FA0] =	sst s0  }
0x9: {  	[smem:$0x3FA1] =	sst s1  }
0xa: {  	[smem:$0x3FA2] =	sst s2  }
0xb: {  	[smem:$0x3FA3] =	sst s3  }
0xc: {  	[smem:$0x3FA4] =	sst s4  }
0xd: {  	[smem:$0x3FA5] =	sst s5  }
0xe: {  	[smem:$0x3FA6] =	sst s6  }
0xf: {  	[smem:$0x3FA7] =	sst s7  }
0x10: {  	[smem:$0x3FA8] =	sst s8  }
0x11: {  	[smem:$0x3FA9] =	sst s9;
	s0 =	simm.s32 @!p0 $0x0  }
0x12: {  	s1 =	sld [smem:$0x3F8F];
	s0 =	simm.s32 @p0 $0x1  }
0x13: {  	[smem:$0x3FAA] =	sst s0;
	s0 =	simm.s32 @!p1 $0x0  }
0x14: {  	s2 =	sld [smem:$0x3F8E];
	s0 =	simm.s32 @p1 $0x1  }
0x15: {  	[smem:$0x3FAB] =	sst s0;
	s0 =	simm.s32 @!p2 $0x0  }
0x16: {  	s3 =	sld [smem:$0x3FDB];
	s0 =	simm.s32 @p2 $0x1  }
0x17: {  	s4 =	simm.s32 $0x1BF5;
	[smem:$0x3FAD] =	sst s0  }
0x18: {  	s0 =	sld [smem:$0x3F90];
	_ =	swait.ge [sflag:s4], $0x0  }
0x19: {  	s7 =	sld [smem:$0x3F91]  }
0x1a: {  	s8 =	sadd.s32 $0xFFFFE003, lr  }
0x1b: {  	s9 =	sadd.s32 $0xFFFFFEF7, lr;
	s5 =	simm.s32 $0xFFFFFFFF;
	p2 =	slt.u32 s8, $0xFFFFF086  }
0x1c: {  	p1 =	slt.u32 s9, $0xF7A;
	s5 =	simm.s32 @!p2 $0x0  }
0x1d: {  	s5 =	simm.s32 @p1 $0x1;
	p0 =	seq.s32 s7, s2  }
0x1e: {  	s7 =	smul.u32 @!p0 $0xF7A, s2;
	p2 =	seq.s32 @!p0 s5, $0x0  }
0x1f: {  	s9 =	smul.u32 $0xF7A, s1;
	s8 =	simm.s32 @!p0 $0x1BF5;
	p2 =	por !p2, p0  }
0x20: {  	[sflag:s8] =	ssyncset.s32 @!p0 $0xFFFFF086;
	s6 =	sadd.s32 @!p0 s3, s7;
	s7 =	simm.s32 @!p0 $0x108  }
0x21: {  	s3 =	sadd.s32 s3, s9;
	s6 =	sadd.s32 @!p0 $0x88, s6;
	s7 =	simm.s32 @p2 $0x1082  }
0x22: {  	[simem:s7], [sflag:s8] =	dma.local @!p0 [hbm:s6], $0xF7A  }
0x23: {  	s9 =	sor.u32 $0xD0000000, s2;
	s6 =	simm.s32 $0x108;
	_ =	swait.ge @!p0 [sflag:s8], $0x0  }
0x24: {  	s3 =	sadd.s32 $0x88, s3;
	s6 =	simm.s32 @!p1 $0x1082;
	[sflag:s4] =	ssyncset.s32 $0xFFFFF086  }
0x25: {  	[simem:s6], [sflag:s4] =	dma.local [hbm:s3], $0xF7A  }
0x26: {  	[smem:$0x3F91] =	sst s1;
	(tag) =	ssettag s2;
	_ =	strace s9  }
0x27: {  	s1 =	sld [smem:$0x3FA1]  }
0x28: {  	s2 =	sld [smem:$0x3FA2]  }
0x29: {  	s4 =	sld [smem:$0x3FA4]  }
0x2a: {  	p0 =	seq.s32 s5, $0x0;
	s5 =	sld [smem:$0x3FA5]  }
0x2b: {  	s6 =	sld [smem:$0x3FA6]  }
0x2c: {  	s7 =	sld [smem:$0x3FA7]  }
0x2d: {  	s3 =	simm.s32 $0x108;
	s8 =	sld [smem:$0x3FA8]  }
0x2e: {  	s3 =	simm.s32 @!p0 $0x1082;
	s9 =	sld [smem:$0x3FA9]  }
0x2f: {  	lr =	sadd.s32 s0, s3;
	s0 =	sld [smem:$0x3FA0]  }
0x30: {  	s3 =	sld [smem:$0x3FA3]  }
0x31: {  	[smem:$0x3FAC] =	sst s10  }
0x32: {  	s10 =	sld [smem:$0x3FAA];
	_ =	sdelay $0x3  }
0x33: {  	p0 =	seq.s32 s10, $0x1;
	s10 =	sld [smem:$0x3FAC];
	_ =	sdelay $0x3  }
0x34: {  	[smem:$0x3FAC] =	sst s10  }
0x35: {  	s10 =	sld [smem:$0x3FAB];
	_ =	sdelay $0x3  }
0x36: {  	p1 =	seq.s32 s10, $0x1;
	s10 =	sld [smem:$0x3FAC];
	_ =	sdelay $0x3  }
0x37: {  	[smem:$0x3FAC] =	sst s10  }
0x38: {  	s10 =	sld [smem:$0x3FAD]  }
0x39: {  	_ = 	snop;
	(pc) =	sbr.ind lr, $3  }
0x3a: {  	_ = 	snop  }
0x3b: {  	_ = 	snop  }
0x3c: {  	p2 =	seq.s32 s10, $0x1;
	s10 =	sld [smem:$0x3FAC]  }
0x3d: {  	_ =	shalt  }
0x3e: {  	_ =	shalt  }
0x3f: {  	_ =	shalt  }
0x40: {  	_ =	shalt  }
0x41: {  	_ =	shalt  }
0x42: {  	_ =	shalt  }
0x43: {  	_ =	shalt  }
0x44: {  	_ =	shalt  }
0x45: {  	_ =	shalt  }
0x46: {  	_ =	shalt  }
0x47: {  	_ =	shalt  }
0x48: {  	_ =	shalt  }
0x49: {  	_ =	shalt  }
0x4a: {  	_ =	shalt  }
0x4b: {  	_ =	shalt  }
0x4c: {  	_ =	shalt  }
0x4d: {  	_ =	shalt  }
0x4e: {  	_ =	shalt  }
0x4f: {  	_ =	shalt  }
0x50: {  	_ =	shalt  }
0x51: {  	_ =	shalt  }
0x52: {  	_ =	shalt  }
0x53: {  	_ =	shalt  }
0x54: {  	_ =	shalt  }
0x55: {  	_ =	shalt  }
0x56: {  	_ =	shalt  }
0x57: {  	_ =	shalt  }
0x58: {  	_ =	shalt  }
0x59: {  	_ =	shalt  }
0x5a: {  	_ =	shalt  }
0x5b: {  	_ =	shalt  }
0x5c: {  	_ =	shalt  }
0x5d: {  	_ =	shalt  }
0x5e: {  	_ =	shalt  }
0x5f: {  	_ =	shalt  }
0x60: {  	_ =	shalt  }
0x61: {  	_ =	shalt  }
0x62: {  	_ =	shalt  }
0x63: {  	_ =	shalt  }
0x64: {  	_ =	shalt  }
0x65: {  	_ =	shalt  }
0x66: {  	_ =	shalt  }
0x67: {  	_ =	shalt  }
0x68: {  	_ =	shalt  }
0x69: {  	_ =	shalt  }
0x6a: {  	_ =	shalt  }
0x6b: {  	_ =	shalt  }
0x6c: {  	_ =	shalt  }
0x6d: {  	_ =	shalt  }
0x6e: {  	_ =	shalt  }
0x6f: {  	_ =	shalt  }
0x70: {  	_ =	shalt  }
0x71: {  	_ =	shalt  }
0x72: {  	_ =	shalt  }
0x73: {  	_ =	shalt  }
0x74: {  	_ =	shalt  }
0x75: {  	_ =	shalt  }
0x76: {  	_ =	shalt  }
0x77: {  	_ =	shalt  }
0x78: {  	_ =	shalt  }
0x79: {  	_ =	shalt  }
0x7a: {  	_ =	shalt  }
0x7b: {  	_ =	shalt  }
0x7c: {  	_ =	shalt  }
0x7d: {  	_ =	shalt  }
0x7e: {  	_ =	shalt  }
0x7f: {  	_ =	shalt  }
0x80: {  	_ =	shalt  }
0x81: {  	_ =	shalt  }
0x82: {  	_ =	shalt  }
0x83: {  	_ =	shalt  }
0x84: {  	_ =	shalt  }
0x85: {  	_ =	shalt  }
0x86: {  	_ =	shalt  }
0x87: {  	_ =	shalt  }
.Lfunc_end0:
.L_simem_size_0:
called_computation_lowered:
.L_overlay_start_0:
0x88: {  	s2 =	sld [smem:$0x3FD9]  }
0x89: {  	s3 =	sld [smem:$0x3FFE];
	_ =	sdelay $0x1  }
0x8a: {  	s1 =	srdreg.scid  }
0x8b: {  	s0 =	sand.u32 $0x1, s1  }
0x8c: {  	s14 =	sshll.u32 s0, $0xA;
	s2 =	sadd.s32 s3, s2  }
0x8d: {  	s2 =	sadd.s32 s2, s14  }
0x8e: {  	[smem:$0x3FB8] =	sst s2  }
0x8f: {  	_ = 	snop  }
0x90: {  	s2 =	sld [smem:$0x3FD0];
	_ =	sdelay $0x2  }
0x91: {  	s15 =	simm.s32 $0xA;
	s4 =	simm.s32 $0x10  }
0x92: {  	[smem:s4], [sflag:s15] =	dma.local [hbm:s2], $0x1  }
0x93: {  	_ =	swait.eq [sflag:s15], $0x1  }
0x94: {  	[sflag:s15] =	ssyncset.done $0x0  }
0x95: {  	[sflag:s15] =	ssyncadd.s32 $0xFFFFFFFF  }
0x96: {  	s16 =	sld [smem:$0x14];
	(tm) =	ssettm $0x1  }
0x97: {  	s17 =	sld [smem:$0x3FFB];
	_ =	sdelay $0x3  }
0x98: {  	_ =	strace s17  }
0x99: {  	s3 =	sld [smem:$0x3FFC];
	_ =	sdelay $0x3  }
0x9a: {  	_ =	strace s3  }
0x9b: {  	s3 =	sld [smem:$0x3FFD];
	_ =	sdelay $0x3  }
0x9c: {  	_ =	strace s3  }
0x9d: {  	_ =	strace $0x8FFFFFFF  }
0x9e: {  	s18 =	sld [smem:$0x3FDB];
	_ =	sdelay $0x1  }
0x9f: {  	s19 =	simm.s32 $_scs_section_size  }
0xa0: {  	s5 =	simm.s32 $_size__tile_overlayer_lowered;
	s6 =	simm.s32 $_tile_overlayer_lowered  }
0xa1: {  	s22 =	simm.s32 $0x1BFF;
	s21 =	sshll.u32 s6, $0x1;
	s3 =	sadd.s32 s19, s18  }
0xa2: {  	s7 =	simm.s32 $0x0;
	s20 =	sshll.u32 s5, $0x1;
	s5 =	sadd.s32 s21, s3  }
0xa3: {  	[timem:s7], [sflag:s22] =	dma.local [hbm:s5], s20  }
0xa4: {  	_ =	swait.ge [sflag:s22], s20  }
0xa5: {  	s4 =	ssub.s32 $0x0, s20;
	[sflag:s22] =	ssyncset.done $0x0  }
0xa6: {  	[sflag:s22] =	ssyncadd.s32 s4;
	_ =	sdelay $0x1  }
0xa7: {  	s23 =	simm.s32 $0x1B8B  }
0xa8: {  	_ =	swait.ge [sflag:s23], $0x1  }
0xa9: {  	[sflag:s23] =	ssyncset.done $0x0  }
0xaa: {  	s25 =	simm.s32 $0x1B8E;
	s24 =	sld [smem:$0x3FFE];
	[sflag:s23] =	ssyncadd.s32 $0xFFFFFFFF  }
0xab: {  	s26 =	simm.s32 $execute0_lowered;
	[smem:$0x3FD2] =	sst s25  }
0xac: {  	s5 =	sshll.u32 s26, $0x1;
	_ =	strace $0x80000046;
	[dreg:$0x1] =	wrdreg $0xFFFFFFFF  }
0xad: {  	s28 =	simm.s32 $_size_execute0_lowered;
	s3 =	sadd.s32 s3, s5;
	[dreg:$0x0] =	wrdreg $0x0  }
0xae: {  	s5 =	sshll.u32 s28, $0x1;
	[dreg:$0x2] =	wrdreg s3  }
0xaf: {  	[dreg:$0x3] =	wrdreg s5  }
0xb0: {  	[dreg:$0x4] =	wrdreg $0xC0  }
0xb1: {  	_ =	task [dreg:s7], $0x5FFFF  }
0xb2: {  	[dreg:$0x1] =	wrdreg $0xFFFFFFFF  }
0xb3: {  	[dreg:$0x0] =	wrdreg $0x60  }
0xb4: {  	[dreg:$0x2] =	wrdreg s24  }
0xb5: {  	[dreg:$0x3] =	wrdreg s16  }
0xb6: {  	[dreg:$0x4] =	wrdreg $0x9  }
0xb7: {  	_ =	task.clear_ibuf [dreg:s7], $0x5FFFF;
	_ =	strace $0x90000046  }
0xb8: {  	s29 =	simm.s32 $0x9;
	_ =	strace $0x80000048  }
0xb9: {  	_ =	swait.ge [sflag:s29], $0x1  }
0xba: {  	[sflag:s29] =	ssyncadd.s32 $0xFFFFFFFF  }
0xbb: {  	_ =	strace $0x90000048  }
0xbc: {  	_ =	sfence  }
0xbd: {  	s30 =	sld [smem:$0x0];
	_ =	sdelay $0x2  }
0xbe: {  	s31 =	sshll.u32 s1, $0xD;
	s1 =	sshrl.u32 s1, $0x2  }
0xbf: {  	s3 =	sand.u32 $0x4000, s31;
	s1 =	sadd.s32 s1, s30  }
0xc0: {  	s0 =	sor.u32 s3, s0;
	s1 =	sshll.u32 s1, $0x11  }
0xc1: {  	s0 =	sor.u32 s1, s0  }
0xc2: {  	s0 =	sadd.s32 $0x8F2B, s0  }
0xc3: {  	[sflag:s0] =	ssyncadd.remote.s32 $0x1  }
0xc4: {  	_ =	sfence.sel $0xFFFF  }
0xc5: {  	[dreg:$0x0] =	wrdreg $0xFFFFFFFF;
	(pc) =	sbr.abs _section_cstart, $3  }
0xc6: {  	[dreg:$0x1] =	wrdreg $0xFFFFFFFF  }
0xc7: {  	_ =	task.clear_ibuf [dreg:s7], $0x2FFFF;
	_ =	strace $0x9FFFFFFF  }
0xc8: {  	(tm) =	ssettm $0x7FFFFFFF  }
0xc9: {  	_ =	shalt  }
tec
execute0_lowered:
.L_overlay_start_1:
0x0: {  	(tag) =	ssettag $0x1  }
0x1: {  	s4 =	rddreg [dreg:$0x0]  }
0x2: {  	s5 =	rddreg [dreg:$0x1]  }
0x3: {  	s0 =	rddreg [dreg:$0x2];
	s3 =	srdreg.scid  }
0x4: {  	s2 =	simm.s32 $0x0;
	s1 =	stileid.u32;
	s10 =	simm.s32 $0x5  }
0x5: {  	s11 =	simm.s32 $0x100;
	s12 =	simm.s32 $0x900;
	s13 =	simm.s32 $0x1100  }
0x6: {  	s14 =	simm.s32 $0x1900;
	s15 =	simm.s32 $0x2100;
	s16 =	simm.s32 $0x2900  }
0x7: {  	s17 =	simm.s32 $0x3100;
	s18 =	simm.s32 $0x3900;
	s19 =	simm.s32 $0x4100  }
0x8: {  	s20 =	simm.s32 $0x4900;
	s21 =	simm.s32 $0x5100;
	s22 =	simm.s32 $0x5900  }
0x9: {  	s23 =	simm.s32 $0x6100;
	s24 =	simm.s32 $0x6900;
	s28 =	simm.s32 $0x1  }
0xa: {  	s29 =	simm.s32 $0x3;
	s30 =	simm.s32 $0x2;
	s31 =	simm.s32 $0x4  }
0xb: {  	s3 =	sand.u32 $0x1, s3;
	[smem:$0x7FF] =	sst s2;
	s6 =	sshll.u32 s1, $0x9  }
0xc: {  	s7 =	sshll.u32 s3, $0x8;
	_ =	strace $0x80000047;
	s25 =	ssub.s32 $0x2, s3  }
0xd: {  	s3 =	sadd.s32 $0x2A00, s4;
	s6 =	sor.u32 s7, s6;
	s9 =	sshrl.u32 s25, $0x1  }
0xe: {  	s8 =	sshll.u32 s6, $0x5;
	s9 =	ssub.s32 s25, s9;
	s26 =	sshrl.u32 s6, $0x3  }
0xf: {  	v2 =	vlaneseq.u32;
	s25 =	simm.s32 $0x7100;
	s8 =	sadd.s32 s8, s4;
	s4 =	sadd.s32 s5, s26  }
0x10: {  	vm0 =	vmmov $0xffff;
	v1 =	vshrl.u32 v2, $0x3;
	s9 =	smax.u32 s9, $0x1;
	s26 =	simm.s32 $0x7900;
	s5 =	sadd.s32 $0x22A00, s8  }
0x11: {  	v0 =	vand.u32 $0x7, v2;
	v2 =	vor.u32 $0x8, v2;
	v1 =	vmul.u32 $0x8, v1;
	s6 =	sadd.s32 $0x23200, s8;
	s7 =	sadd.s32 $0x23A00, s8;
	s8 =	sadd.s32 $0x24200, s8  }
.LBB2_1:
0x12: {  	[tilespmem:s2], [sflag:$0x5] =	stream.linear.gather [hbm4b:s4+s2], $0x100, $0x38;
	[tilespmem:$0x8100] =	vst v63  }
0x13: {  	_ =	swait.ge [sflag:s10], $0x100  }
0x14: {  	[sflag:s10] =	ssyncset.done $0x0  }
0x15: {  	[sflag:s10] =	ssyncadd.s32 $0xFFFFFF00  }
0x16: {  	v3 =	vld [tilespmem:$0x0];
	_ =	sdelay $0x4  }
0x17: {  	v4 =	vshll.u32 v3, $0x1  }
0x18: {  	v3 =	vand.u32 $0x7, v3;
	v4 =	vand.u32 $0xFFFFFFF0, v4  }
0x19: {  	v3 =	vor.u32 v3, v4  }
0x1a: {  	v4 =	vperm.xlane v3, v0;
	_ =	sdelay $0x1  }
0x1b: {  	v3 =	vperm.xlane v3, v2;
	v4 =	vadd.s32 v1, v4;
	_ =	sdelay $0x1  }
0x1c: {  	v3 =	vadd.s32 v1, v3;
	_ =	sdelay $0x2  }
0x1d: {  	[tilespmem:s11], [sflag:$0x1] =	stream.indirect_vreg.gather [hbm4b:s3+s2], $0x80, v4, vm0, $0xb8;
	[tilespmem:$0x8100] =	vst v63  }
0x1e: {  	_ = 	snop  }
0x1f: {  	[tilespmem:s12], [sflag:$0x1] =	stream.indirect_vreg.gather [hbm4b:s3+s2], $0x80, v3, vm0, $0xb8;
	[tilespmem:$0x8100] =	vst v63  }
0x20: {  	v3 =	vld [tilespmem:$0x10];
	_ =	sdelay $0x4  }
0x21: {  	v49 =	vshll.u32 v3, $0x1  }
0x22: {  	v3 =	vand.u32 $0x7, v3;
	v4 =	vand.u32 $0xFFFFFFF0, v49  }
0x23: {  	v3 =	vor.u32 v3, v4  }
0x24: {  	v4 =	vperm.xlane v3, v0;
	_ =	sdelay $0x1  }
0x25: {  	v3 =	vperm.xlane v3, v2;
	v4 =	vadd.s32 v1, v4;
	_ =	sdelay $0x1  }
0x26: {  	v3 =	vadd.s32 v1, v3;
	_ =	sdelay $0x2  }
0x27: {  	[tilespmem:s13], [sflag:$0x1] =	stream.indirect_vreg.gather [hbm4b:s3+s2], $0x80, v4, vm0, $0xb8;
	[tilespmem:$0x8100] =	vst v63  }
0x28: {  	_ = 	snop  }
0x29: {  	[tilespmem:s14], [sflag:$0x1] =	stream.indirect_vreg.gather [hbm4b:s3+s2], $0x80, v3, vm0, $0xb8;
	[tilespmem:$0x8100] =	vst v63  }
0x2a: {  	v3 =	vld [tilespmem:$0x20];
	_ =	sdelay $0x4  }
0x2b: {  	v50 =	vshll.u32 v3, $0x1  }
0x2c: {  	v3 =	vand.u32 $0x7, v3;
	v4 =	vand.u32 $0xFFFFFFF0, v50  }
0x2d: {  	v3 =	vor.u32 v3, v4  }
0x2e: {  	v4 =	vperm.xlane v3, v0;
	_ =	sdelay $0x1  }
0x2f: {  	v3 =	vperm.xlane v3, v2;
	v4 =	vadd.s32 v1, v4;
	_ =	sdelay $0x1  }
0x30: {  	v3 =	vadd.s32 v1, v3;
	_ =	sdelay $0x2  }
0x31: {  	[tilespmem:s15], [sflag:$0x1] =	stream.indirect_vreg.gather [hbm4b:s3+s2], $0x80, v4, vm0, $0xb8;
	[tilespmem:$0x8100] =	vst v63  }
0x32: {  	_ = 	snop  }
0x33: {  	[tilespmem:s16], [sflag:$0x1] =	stream.indirect_vreg.gather [hbm4b:s3+s2], $0x80, v3, vm0, $0xb8;
	[tilespmem:$0x8100] =	vst v63  }
0x34: {  	v3 =	vld [tilespmem:$0x30];
	_ =	sdelay $0x4  }
0x35: {  	v51 =	vshll.u32 v3, $0x1  }
0x36: {  	v3 =	vand.u32 $0x7, v3;
	v4 =	vand.u32 $0xFFFFFFF0, v51  }
0x37: {  	v3 =	vor.u32 v3, v4  }
0x38: {  	v4 =	vperm.xlane v3, v0;
	_ =	sdelay $0x1  }
0x39: {  	v3 =	vperm.xlane v3, v2;
	v4 =	vadd.s32 v1, v4;
	_ =	sdelay $0x1  }
0x3a: {  	v3 =	vadd.s32 v1, v3;
	_ =	sdelay $0x2  }
0x3b: {  	[tilespmem:s17], [sflag:$0x1] =	stream.indirect_vreg.gather [hbm4b:s3+s2], $0x80, v4, vm0, $0xb8;
	[tilespmem:$0x8100] =	vst v63  }
0x3c: {  	_ = 	snop  }
0x3d: {  	[tilespmem:s18], [sflag:$0x1] =	stream.indirect_vreg.gather [hbm4b:s3+s2], $0x80, v3, vm0, $0xb8;
	[tilespmem:$0x8100] =	vst v63  }
0x3e: {  	v3 =	vld [tilespmem:$0x40];
	_ =	sdelay $0x4  }
0x3f: {  	v52 =	vshll.u32 v3, $0x1  }
0x40: {  	v3 =	vand.u32 $0x7, v3;
	v4 =	vand.u32 $0xFFFFFFF0, v52  }
0x41: {  	v3 =	vor.u32 v3, v4  }
0x42: {  	v4 =	vperm.xlane v3, v0;
	_ =	sdelay $0x1  }
0x43: {  	v3 =	vperm.xlane v3, v2;
	v4 =	vadd.s32 v1, v4;
	_ =	sdelay $0x1  }
0x44: {  	v3 =	vadd.s32 v1, v3;
	_ =	sdelay $0x2  }
0x45: {  	[tilespmem:s19], [sflag:$0x2] =	stream.indirect_vreg.gather [hbm4b:s3+s2], $0x80, v4, vm0, $0xb8;
	[tilespmem:$0x8100] =	vst v63  }
0x46: {  	_ = 	snop  }
0x47: {  	[tilespmem:s20], [sflag:$0x2] =	stream.indirect_vreg.gather [hbm4b:s3+s2], $0x80, v3, vm0, $0xb8;
	[tilespmem:$0x8100] =	vst v63  }
0x48: {  	v3 =	vld [tilespmem:$0x50];
	_ =	sdelay $0x4  }
0x49: {  	v53 =	vshll.u32 v3, $0x1  }
0x4a: {  	v3 =	vand.u32 $0x7, v3;
	v4 =	vand.u32 $0xFFFFFFF0, v53  }
0x4b: {  	v3 =	vor.u32 v3, v4  }
0x4c: {  	v4 =	vperm.xlane v3, v0;
	_ =	sdelay $0x1  }
0x4d: {  	v3 =	vperm.xlane v3, v2;
	v4 =	vadd.s32 v1, v4;
	_ =	sdelay $0x1  }
0x4e: {  	v3 =	vadd.s32 v1, v3;
	_ =	sdelay $0x2  }
0x4f: {  	[tilespmem:s21], [sflag:$0x2] =	stream.indirect_vreg.gather [hbm4b:s3+s2], $0x80, v4, vm0, $0xb8;
	[tilespmem:$0x8100] =	vst v63  }
0x50: {  	_ = 	snop  }
0x51: {  	[tilespmem:s22], [sflag:$0x2] =	stream.indirect_vreg.gather [hbm4b:s3+s2], $0x80, v3, vm0, $0xb8;
	[tilespmem:$0x8100] =	vst v63  }
0x52: {  	v3 =	vld [tilespmem:$0x60];
	_ =	sdelay $0x4  }
0x53: {  	v54 =	vshll.u32 v3, $0x1  }
0x54: {  	v3 =	vand.u32 $0x7, v3;
	v4 =	vand.u32 $0xFFFFFFF0, v54  }
0x55: {  	v3 =	vor.u32 v3, v4  }
0x56: {  	v4 =	vperm.xlane v3, v0;
	_ =	sdelay $0x1  }
0x57: {  	v3 =	vperm.xlane v3, v2;
	v4 =	vadd.s32 v1, v4;
	_ =	sdelay $0x1  }
0x58: {  	v3 =	vadd.s32 v1, v3;
	_ =	sdelay $0x2  }
0x59: {  	[tilespmem:s23], [sflag:$0x2] =	stream.indirect_vreg.gather [hbm4b:s3+s2], $0x80, v4, vm0, $0xb8;
	[tilespmem:$0x8100] =	vst v63  }
0x5a: {  	_ = 	snop  }
0x5b: {  	[tilespmem:s24], [sflag:$0x2] =	stream.indirect_vreg.gather [hbm4b:s3+s2], $0x80, v3, vm0, $0xb8;
	[tilespmem:$0x8100] =	vst v63  }
0x5c: {  	v3 =	vld [tilespmem:$0x70];
	_ =	sdelay $0x4  }
0x5d: {  	v55 =	vshll.u32 v3, $0x1  }
0x5e: {  	v3 =	vand.u32 $0x7, v3;
	v4 =	vand.u32 $0xFFFFFFF0, v55  }
0x5f: {  	v3 =	vor.u32 v3, v4  }
0x60: {  	v4 =	vperm.xlane v3, v0;
	_ =	sdelay $0x1  }
0x61: {  	v3 =	vperm.xlane v3, v2;
	v4 =	vadd.s32 v1, v4;
	_ =	sdelay $0x1  }
0x62: {  	v3 =	vadd.s32 v1, v3;
	_ =	sdelay $0x2  }
0x63: {  	[tilespmem:s25], [sflag:$0x2] =	stream.indirect_vreg.gather [hbm4b:s3+s2], $0x80, v4, vm0, $0xb8;
	[tilespmem:$0x8100] =	vst v63  }
0x64: {  	_ = 	snop  }
0x65: {  	[tilespmem:s26], [sflag:$0x2] =	stream.indirect_vreg.gather [hbm4b:s3+s2], $0x80, v3, vm0, $0xb8;
	[tilespmem:$0x8100] =	vst v63  }
0x66: {  	_ =	swait.ge [sflag:s28], $0x4000  }
0x67: {  	[sflag:s28] =	ssyncset.done $0x0  }
0x68: {  	[sflag:s28] =	ssyncadd.s32 $0xFFFFC000  }
0x69: {  	[hbm4b:s5+s2] =	stream.linear.scatter [tilespmem:s11], [sflag:$0x3], $0x4000, $0x38;
	[tilespmem:$0x8100] =	vst v63  }
0x6a: {  	_ =	swait.ge [sflag:s29], $0x4000  }
0x6b: {  	[sflag:s29] =	ssyncset.done $0x0  }
0x6c: {  	[sflag:s29] =	ssyncadd.s32 $0xFFFFC000  }
0x6d: {  	v3 =	vld [tilespmem:$0x80];
	_ =	sdelay $0x4  }
0x6e: {  	v56 =	vshll.u32 v3, $0x1  }
0x6f: {  	v3 =	vand.u32 $0x7, v3;
	v4 =	vand.u32 $0xFFFFFFF0, v56  }
0x70: {  	v3 =	vor.u32 v3, v4  }
0x71: {  	v4 =	vperm.xlane v3, v0;
	_ =	sdelay $0x1  }
0x72: {  	v3 =	vperm.xlane v3, v2;
	v4 =	vadd.s32 v1, v4;
	_ =	sdelay $0x1  }
0x73: {  	v3 =	vadd.s32 v1, v3;
	_ =	sdelay $0x2  }
0x74: {  	[tilespmem:s11], [sflag:$0x1] =	stream.indirect_vreg.gather [hbm4b:s3+s2], $0x80, v4, vm0, $0xb8;
	[tilespmem:$0x8100] =	vst v63  }
0x75: {  	_ = 	snop  }
0x76: {  	[tilespmem:s12], [sflag:$0x1] =	stream.indirect_vreg.gather [hbm4b:s3+s2], $0x80, v3, vm0, $0xb8;
	[tilespmem:$0x8100] =	vst v63  }
0x77: {  	v3 =	vld [tilespmem:$0x90];
	_ =	sdelay $0x4  }
0x78: {  	v57 =	vshll.u32 v3, $0x1  }
0x79: {  	v3 =	vand.u32 $0x7, v3;
	v4 =	vand.u32 $0xFFFFFFF0, v57  }
0x7a: {  	v3 =	vor.u32 v3, v4  }
0x7b: {  	v4 =	vperm.xlane v3, v0;
	_ =	sdelay $0x1  }
0x7c: {  	v3 =	vperm.xlane v3, v2;
	v4 =	vadd.s32 v1, v4;
	_ =	sdelay $0x1  }
0x7d: {  	v3 =	vadd.s32 v1, v3;
	_ =	sdelay $0x2  }
0x7e: {  	[tilespmem:s13], [sflag:$0x1] =	stream.indirect_vreg.gather [hbm4b:s3+s2], $0x80, v4, vm0, $0xb8;
	[tilespmem:$0x8100] =	vst v63  }
0x7f: {  	_ = 	snop  }
0x80: {  	[tilespmem:s14], [sflag:$0x1] =	stream.indirect_vreg.gather [hbm4b:s3+s2], $0x80, v3, vm0, $0xb8;
	[tilespmem:$0x8100] =	vst v63  }
0x81: {  	v3 =	vld [tilespmem:$0xA0];
	_ =	sdelay $0x4  }
0x82: {  	v58 =	vshll.u32 v3, $0x1  }
0x83: {  	v3 =	vand.u32 $0x7, v3;
	v4 =	vand.u32 $0xFFFFFFF0, v58  }
0x84: {  	v3 =	vor.u32 v3, v4  }
0x85: {  	v4 =	vperm.xlane v3, v0;
	_ =	sdelay $0x1  }
0x86: {  	v3 =	vperm.xlane v3, v2;
	v4 =	vadd.s32 v1, v4;
	_ =	sdelay $0x1  }
0x87: {  	v3 =	vadd.s32 v1, v3;
	_ =	sdelay $0x2  }
0x88: {  	[tilespmem:s15], [sflag:$0x1] =	stream.indirect_vreg.gather [hbm4b:s3+s2], $0x80, v4, vm0, $0xb8;
	[tilespmem:$0x8100] =	vst v63  }
0x89: {  	_ = 	snop  }
0x8a: {  	[tilespmem:s16], [sflag:$0x1] =	stream.indirect_vreg.gather [hbm4b:s3+s2], $0x80, v3, vm0, $0xb8;
	[tilespmem:$0x8100] =	vst v63  }
0x8b: {  	v3 =	vld [tilespmem:$0xB0];
	_ =	sdelay $0x4  }
0x8c: {  	v59 =	vshll.u32 v3, $0x1  }
0x8d: {  	v3 =	vand.u32 $0x7, v3;
	v4 =	vand.u32 $0xFFFFFFF0, v59  }
0x8e: {  	v3 =	vor.u32 v3, v4  }
0x8f: {  	v4 =	vperm.xlane v3, v0;
	_ =	sdelay $0x1  }
0x90: {  	v3 =	vperm.xlane v3, v2;
	v4 =	vadd.s32 v1, v4;
	_ =	sdelay $0x1  }
0x91: {  	v3 =	vadd.s32 v1, v3;
	_ =	sdelay $0x2  }
0x92: {  	[tilespmem:s17], [sflag:$0x1] =	stream.indirect_vreg.gather [hbm4b:s3+s2], $0x80, v4, vm0, $0xb8;
	[tilespmem:$0x8100] =	vst v63  }
0x93: {  	_ = 	snop  }
0x94: {  	[tilespmem:s18], [sflag:$0x1] =	stream.indirect_vreg.gather [hbm4b:s3+s2], $0x80, v3, vm0, $0xb8;
	[tilespmem:$0x8100] =	vst v63  }
0x95: {  	_ =	swait.ge [sflag:s30], $0x4000  }
0x96: {  	[sflag:s30] =	ssyncset.done $0x0  }
0x97: {  	[sflag:s30] =	ssyncadd.s32 $0xFFFFC000  }
0x98: {  	[hbm4b:s6+s2] =	stream.linear.scatter [tilespmem:s19], [sflag:$0x4], $0x4000, $0x38;
	[tilespmem:$0x8100] =	vst v63  }
0x99: {  	_ =	swait.ge [sflag:s31], $0x4000  }
0x9a: {  	[sflag:s31] =	ssyncset.done $0x0  }
0x9b: {  	[sflag:s31] =	ssyncadd.s32 $0xFFFFC000  }
0x9c: {  	v3 =	vld [tilespmem:$0xC0];
	_ =	sdelay $0x4  }
0x9d: {  	v60 =	vshll.u32 v3, $0x1  }
0x9e: {  	v3 =	vand.u32 $0x7, v3;
	v4 =	vand.u32 $0xFFFFFFF0, v60  }
0x9f: {  	v3 =	vor.u32 v3, v4  }
0xa0: {  	v4 =	vperm.xlane v3, v0;
	_ =	sdelay $0x1  }
0xa1: {  	v3 =	vperm.xlane v3, v2;
	v4 =	vadd.s32 v1, v4;
	_ =	sdelay $0x1  }
0xa2: {  	v3 =	vadd.s32 v1, v3;
	_ =	sdelay $0x2  }
0xa3: {  	[tilespmem:s19], [sflag:$0x2] =	stream.indirect_vreg.gather [hbm4b:s3+s2], $0x80, v4, vm0, $0xb8;
	[tilespmem:$0x8100] =	vst v63  }
0xa4: {  	_ = 	snop  }
0xa5: {  	[tilespmem:s20], [sflag:$0x2] =	stream.indirect_vreg.gather [hbm4b:s3+s2], $0x80, v3, vm0, $0xb8;
	[tilespmem:$0x8100] =	vst v63  }
0xa6: {  	v3 =	vld [tilespmem:$0xD0];
	_ =	sdelay $0x4  }
0xa7: {  	v61 =	vshll.u32 v3, $0x1  }
0xa8: {  	v3 =	vand.u32 $0x7, v3;
	v4 =	vand.u32 $0xFFFFFFF0, v61  }
0xa9: {  	v3 =	vor.u32 v3, v4  }
0xaa: {  	v4 =	vperm.xlane v3, v0;
	_ =	sdelay $0x1  }
0xab: {  	v3 =	vperm.xlane v3, v2;
	v4 =	vadd.s32 v1, v4;
	_ =	sdelay $0x1  }
0xac: {  	v3 =	vadd.s32 v1, v3;
	_ =	sdelay $0x2  }
0xad: {  	[tilespmem:s21], [sflag:$0x2] =	stream.indirect_vreg.gather [hbm4b:s3+s2], $0x80, v4, vm0, $0xb8;
	[tilespmem:$0x8100] =	vst v63  }
0xae: {  	_ = 	snop  }
0xaf: {  	[tilespmem:s22], [sflag:$0x2] =	stream.indirect_vreg.gather [hbm4b:s3+s2], $0x80, v3, vm0, $0xb8;
	[tilespmem:$0x8100] =	vst v63  }
0xb0: {  	v3 =	vld [tilespmem:$0xE0];
	_ =	sdelay $0x4  }
0xb1: {  	v62 =	vshll.u32 v3, $0x1  }
0xb2: {  	v3 =	vand.u32 $0x7, v3;
	v4 =	vand.u32 $0xFFFFFFF0, v62  }
0xb3: {  	v3 =	vor.u32 v3, v4  }
0xb4: {  	v4 =	vperm.xlane v3, v0;
	_ =	sdelay $0x1  }
0xb5: {  	v3 =	vperm.xlane v3, v2;
	v4 =	vadd.s32 v1, v4;
	_ =	sdelay $0x1  }
0xb6: {  	v3 =	vadd.s32 v1, v3;
	_ =	sdelay $0x2  }
0xb7: {  	[tilespmem:s23], [sflag:$0x2] =	stream.indirect_vreg.gather [hbm4b:s3+s2], $0x80, v4, vm0, $0xb8;
	[tilespmem:$0x8100] =	vst v63  }
0xb8: {  	_ = 	snop  }
0xb9: {  	[tilespmem:s24], [sflag:$0x2] =	stream.indirect_vreg.gather [hbm4b:s3+s2], $0x80, v3, vm0, $0xb8;
	[tilespmem:$0x8100] =	vst v63  }
0xba: {  	v3 =	vld [tilespmem:$0xF0];
	_ =	sdelay $0x4  }
0xbb: {  	v63 =	vshll.u32 v3, $0x1  }
0xbc: {  	v3 =	vand.u32 $0x7, v3;
	v4 =	vand.u32 $0xFFFFFFF0, v63  }
0xbd: {  	v3 =	vor.u32 v3, v4  }
0xbe: {  	v4 =	vperm.xlane v3, v0;
	_ =	sdelay $0x1  }
0xbf: {  	v3 =	vperm.xlane v3, v2;
	v4 =	vadd.s32 v1, v4;
	_ =	sdelay $0x1  }
0xc0: {  	v3 =	vadd.s32 v1, v3;
	_ =	sdelay $0x2  }
0xc1: {  	[tilespmem:s25], [sflag:$0x2] =	stream.indirect_vreg.gather [hbm4b:s3+s2], $0x80, v4, vm0, $0xb8;
	[tilespmem:$0x8100] =	vst v63  }
0xc2: {  	_ = 	snop  }
0xc3: {  	[tilespmem:s26], [sflag:$0x2] =	stream.indirect_vreg.gather [hbm4b:s3+s2], $0x80, v3, vm0, $0xb8;
	[tilespmem:$0x8100] =	vst v63  }
0xc4: {  	_ =	swait.ge [sflag:s28], $0x4000  }
0xc5: {  	[sflag:s28] =	ssyncset.done $0x0  }
0xc6: {  	[sflag:s28] =	ssyncadd.s32 $0xFFFFC000  }
0xc7: {  	[hbm4b:s7+s2] =	stream.linear.scatter [tilespmem:s11], [sflag:$0x3], $0x4000, $0x38;
	[tilespmem:$0x8100] =	vst v63  }
0xc8: {  	_ =	swait.ge [sflag:s30], $0x4000  }
0xc9: {  	[sflag:s30] =	ssyncset.done $0x0  }
0xca: {  	[sflag:s30] =	ssyncadd.s32 $0xFFFFC000  }
0xcb: {  	[hbm4b:s8+s2] =	stream.linear.scatter [tilespmem:s19], [sflag:$0x4], $0x4000, $0x38;
	[tilespmem:$0x8100] =	vst v63  }
0xcc: {  	p0 =	sne.s32 s9, $0x1;
	_ =	swait.ge [sflag:s29], $0x4000  }
.Ltmp0:
0xcd: {  	[sflag:s29] =	ssyncset.done $0x0;
	(pc) =	sbr.rel @p0 .LBB2_1-.Ltmp0, $4  }
0xce: {  	[sflag:s29] =	ssyncadd.s32 $0xFFFFC000  }
0xcf: {  	_ =	swait.ge [sflag:s31], $0x4000  }
0xd0: {  	[sflag:s31] =	ssyncset.done $0x0  }
0xd1: {  	s9 =	sadd.s32 $0xFFFFFFFF, s9;
	[sflag:s31] =	ssyncadd.s32 $0xFFFFC000  }
0xd2: {  	_ =	sfence.sel $0x180000  }
0xd3: {  	[bflag:$0x0] =	sbarrier.arrive $0xFFFF  }
0xd4: {  	p0 =	sne.s32 s1, $0x0;
	_ =	strace $0x90000047  }
0xd5: {  	s0 =	sadd.s32 @!p0 $0x100000, s0;
	[bflag:$0x2] =	sbarrier.arrive $0xFFFF  }
0xd6: {  	[sflag:s0] =	ssyncadd.tile.s32 @!p0 $0x1;
	_ =	shalt  }
.Lfunc_end2:
_tile_overlayer_lowered:
.L_overlay_start_2:
0xd7: {  	(tag) =	ssettag $0x2  }
0xd8: {  	s0 =	rddreg [dreg:$0x0];
	s2 =	stileid.u32  }
0xd9: {  	s1 =	rddreg [dreg:$0x1];
	p0 =	sne.s32 s2, $0x0  }
0xda: {  	s3 =	rddreg [dreg:$0x2];
	[bflag:$0x3] =	sbarrier.arrive $0xFFFF;
	s2 =	simm.s32 @!p0 $0x1C05  }
0xdb: {  	[timem:s3], [sflag:s2] =	dma.local @!p0 [hbm:s0], s1  }
0xdc: {  	s0 =	simm.s32 @!p0 $0x5  }
0xdd: {  	_ =	swait.ge @!p0 [sflag:s0], s1  }
0xde: {  	s1 =	ssub.s32 @!p0 $0x0, s1;
	[sflag:s0] =	ssyncset.done @!p0 $0x0  }
0xdf: {  	[sflag:s0] =	ssyncadd.s32 @!p0 s1  }
0xe0: {  	[bflag:$0x3] =	sbarrier.arrive $0xFFFF  }
0xe1: {  	_ =	shalt  }

</sc_bundles>
